<compile_context>
chip_gen: v7x
topology: tpu7x:2x2x1
jax: 0.10.2.dev20260603
libtpu: 0.0.44.dev20260713+nightly
codegen_flags: <defaults>
</compile_context>

<pallas_src>
import functools
import math

import jax
import jax.numpy as jnp
from jax import lax
from jax.experimental import pallas as pl
from jax.experimental.pallas import tpu as pltpu
from jax.experimental.pallas import tpu_sc as plsc

N_NODES = 10000
N_EDGES = 320000
DIMS = 128
NC = 2
NS = 16
NW = NC * NS
CHUNK = 80
NCHUNKS = 128
EPW = NCHUNKS * CHUNK
E_PAD = NW * EPW
N_ACC = 10240
NB = 3
NSUP = (NCHUNKS + NB - 1) // NB
DEG_WIN = 16
RPT = 624
RPT_LAST = N_NODES - 15 * RPT
BN_SCALE = 1.0 / math.sqrt(1.0 + 1e-5)

_mesh = plsc.VectorSubcoreMesh(core_axis_name="c", subcore_axis_name="s")


@functools.partial(
    pl.kernel,
    mesh=_mesh,
    out_type=jax.ShapeDtypeStruct((NC * N_NODES,), jnp.float32),
    scratch_types=[
        pltpu.VMEM((NCHUNKS, CHUNK), jnp.int32),
        pltpu.VMEM((CHUNK,), jnp.float32),
        pltpu.VMEM((N_ACC,), jnp.float32),
        pltpu.VMEM_SHARED((N_ACC,), jnp.float32),
        pltpu.SemaphoreType.DMA,
    ],
)
def _deg_kernel(dst_hbm, zeros_hbm, deg_out, dst_all, ones_v, stage_v,
                deg_sh, sem):
    c = lax.axis_index("c")
    s = lax.axis_index("s")
    w = c * NS + s
    pltpu.sync_copy(dst_hbm.at[pl.ds(w * NCHUNKS, NCHUNKS)], dst_all)
    for j in range(CHUNK // 16):
        ones_v[pl.ds(j * 16, 16)] = jnp.full((16,), 1.0, dtype=jnp.float32)

    @pl.when(s == 0)
    def _init():
        pltpu.sync_copy(zeros_hbm, stage_v)
        pltpu.sync_copy(stage_v, deg_sh)

    plsc.subcore_barrier()

    def body(i, carry):
        @pl.when(i >= DEG_WIN)
        def _throttle():
            pltpu.make_async_copy(ones_v, deg_sh.at[dst_all.at[0]], sem).wait()

        pltpu.async_copy(ones_v, deg_sh.at[dst_all.at[i]], sem, add=True)
        return carry

    lax.fori_loop(0, NCHUNKS, body, 0)

    def drain(i, carry):
        pltpu.make_async_copy(ones_v, deg_sh.at[dst_all.at[0]], sem).wait()
        return carry

    lax.fori_loop(0, DEG_WIN, drain, 0)
    plsc.subcore_barrier()

    @pl.when(s == 0)
    def _drain():
        pltpu.sync_copy(deg_sh.at[pl.ds(0, N_NODES)], stage_v.at[pl.ds(0, N_NODES)])
        pltpu.sync_copy(stage_v.at[pl.ds(0, N_NODES)],
                        deg_out.at[pl.ds(c * N_NODES, N_NODES)])


@functools.partial(
    pl.kernel,
    mesh=_mesh,
    out_type=jax.ShapeDtypeStruct((NC * N_NODES, DIMS), jnp.float32),
    scratch_types=[
        pltpu.VMEM((NCHUNKS, CHUNK), jnp.int32),
        pltpu.VMEM((NB, CHUNK), jnp.int32),
        pltpu.VMEM((NB, CHUNK, DIMS), jnp.float32),
        pltpu.VMEM_SHARED((N_ACC, DIMS), jnp.float32),
    ] + [pltpu.SemaphoreType.DMA] * (3 * NB),
)
def _scatter_kernel(src_hbm, dst_hbm, g_hbm, zrows_hbm, acc_out,
                    src_all, dst_r, rows_v, acc_sh, *sems):
    sem_g = sems[0:NB]
    sem_d = sems[NB:2 * NB]
    sem_s = sems[2 * NB:3 * NB]
    c = lax.axis_index("c")
    s = lax.axis_index("s")
    w = c * NS + s
    pltpu.sync_copy(src_hbm.at[pl.ds(w * NCHUNKS, NCHUNKS)], src_all)

    @pl.when(s < 15)
    def _init_a():
        pltpu.sync_copy(zrows_hbm.at[pl.ds(0, RPT)],
                        acc_sh.at[pl.ds(s * RPT, RPT)])

    @pl.when(s == 15)
    def _init_b():
        pltpu.sync_copy(zrows_hbm, acc_sh.at[pl.ds(15 * RPT, RPT_LAST)])

    plsc.subcore_barrier()

    for p in range(NB):
        pltpu.async_copy(g_hbm.at[src_all.at[p]], rows_v.at[p], sem_g[p])
        pltpu.async_copy(dst_hbm.at[w * NCHUNKS + p], dst_r.at[p], sem_d[p])

    def body(k, carry):
        for p in range(NB):
            i = NB * k + p

            @pl.when(i < NCHUNKS)
            def _consume(p=p, i=i):
                pltpu.make_async_copy(dst_hbm.at[0], dst_r.at[p],
                                      sem_d[p]).wait()
                pltpu.make_async_copy(g_hbm.at[src_all.at[0]], rows_v.at[p],
                                      sem_g[p]).wait()
                pltpu.async_copy(rows_v.at[p], acc_sh.at[dst_r.at[p]],
                                 sem_s[p], add=True)

        for p in range(NB):
            i = NB * k + p

            @pl.when(i < NCHUNKS)
            def _refill(p=p, i=i):
                pltpu.make_async_copy(rows_v.at[p], acc_sh.at[dst_r.at[p]],
                                      sem_s[p]).wait()

                @pl.when(i + NB < NCHUNKS)
                def _fire(p=p, i=i):
                    pltpu.async_copy(g_hbm.at[src_all.at[i + NB]],
                                     rows_v.at[p], sem_g[p])
                    pltpu.async_copy(dst_hbm.at[w * NCHUNKS + i + NB],
                                     dst_r.at[p], sem_d[p])

        return carry

    lax.fori_loop(0, NSUP, body, 0)
    plsc.subcore_barrier()

    @pl.when(s < 15)
    def _drain_a():
        pltpu.sync_copy(acc_sh.at[pl.ds(s * RPT, RPT)],
                        acc_out.at[pl.ds(c * N_NODES + s * RPT, RPT)])

    @pl.when(s == 15)
    def _drain_b():
        pltpu.sync_copy(acc_sh.at[pl.ds(15 * RPT, RPT_LAST)],
                        acc_out.at[pl.ds(c * N_NODES + 15 * RPT, RPT_LAST)])


def _matmul_body(dega_ref, degb_ref, x_ref, w_ref, g_ref):
    deg = dega_ref[...] + degb_ref[...] + 1.0
    dis = lax.rsqrt(deg)
    h = jnp.dot(x_ref[...], w_ref[...], preferred_element_type=jnp.float32)
    g_ref[...] = h * dis


def _epilogue_body(acca_ref, accb_ref, g_ref, dega_ref, degb_ref, x_ref,
                   b_ref, gam_ref, bet_ref, o_ref):
    deg = dega_ref[...] + degb_ref[...] + 1.0
    dis = lax.rsqrt(deg)
    ssum = acca_ref[...] + accb_ref[...] + g_ref[...]
    pre = ssum * dis + b_ref[...]
    bn = pre * (gam_ref[...] * BN_SCALE) + bet_ref[...]
    o_ref[...] = jnp.maximum(bn, 0.0) + x_ref[...]


def kernel(x, edge_index, W, b, gamma, beta):
    n_pad = E_PAD - N_EDGES
    src = edge_index[0].astype(jnp.int32)
    dst = edge_index[1].astype(jnp.int32)
    pad_src = (jnp.arange(n_pad, dtype=jnp.int32) * 13) % N_NODES
    pad_dst = N_NODES + (jnp.arange(n_pad, dtype=jnp.int32) % (N_ACC - N_NODES))
    src2 = jnp.concatenate([src, pad_src]).reshape(NW * NCHUNKS, CHUNK)
    dst2 = jnp.concatenate([dst, pad_dst]).reshape(NW * NCHUNKS, CHUNK)
    zeros1 = jnp.zeros((N_ACC,), jnp.float32)
    zrows = jnp.zeros((RPT_LAST, DIMS), jnp.float32)

    deg2 = _deg_kernel(dst2, zeros1)
    dega = deg2[0:N_NODES].reshape(N_NODES, 1)
    degb = deg2[N_NODES:2 * N_NODES].reshape(N_NODES, 1)

    grid = 10
    br = N_NODES // grid
    g = pl.pallas_call(
        _matmul_body,
        grid=(grid,),
        in_specs=[
            pl.BlockSpec((br, 1), lambda i: (i, 0)),
            pl.BlockSpec((br, 1), lambda i: (i, 0)),
            pl.BlockSpec((br, DIMS), lambda i: (i, 0)),
            pl.BlockSpec((DIMS, DIMS), lambda i: (0, 0)),
        ],
        out_specs=pl.BlockSpec((br, DIMS), lambda i: (i, 0)),
        out_shape=jax.ShapeDtypeStruct((N_NODES, DIMS), jnp.float32),
    )(dega, degb, x, W)

    acc = _scatter_kernel(src2, dst2, g, zrows)

    out = pl.pallas_call(
        _epilogue_body,
        grid=(grid,),
        in_specs=[
            pl.BlockSpec((br, DIMS), lambda i: (i, 0)),
            pl.BlockSpec((br, DIMS), lambda i: (i + grid, 0)),
            pl.BlockSpec((br, DIMS), lambda i: (i, 0)),
            pl.BlockSpec((br, 1), lambda i: (i, 0)),
            pl.BlockSpec((br, 1), lambda i: (i, 0)),
            pl.BlockSpec((br, DIMS), lambda i: (i, 0)),
            pl.BlockSpec((1, DIMS), lambda i: (0, 0)),
            pl.BlockSpec((1, DIMS), lambda i: (0, 0)),
            pl.BlockSpec((1, DIMS), lambda i: (0, 0)),
        ],
        out_specs=pl.BlockSpec((br, DIMS), lambda i: (i, 0)),
        out_shape=jax.ShapeDtypeStruct((N_NODES, DIMS), jnp.float32),
    )(acc, acc, g, dega, degb, x,
      b.reshape(1, DIMS), gamma.reshape(1, DIMS), beta.reshape(1, DIMS))
    return out

# --- scband reference (transcript-rebuilt; emitter-appended) ---
"""Pipeline reference for scband-residual-gcnlayer-20693152432667 (READ-ONLY COPY).

The authoritative reference and input builder live on the scoring server;
editing this copy changes nothing except your own understanding.
"""

import jax, jax.numpy as jnp
import numpy as np

N_NODES = 10000
N_EDGES = 320000
DIMS = 128

def setup_inputs(seed: int = 0) -> dict:
    key = jax.random.key(seed)
    k_x, k_ei, k_w, k_b, k_g, k_be = jax.random.split(key, 6)
    x = jax.random.normal(k_x, (N_NODES, DIMS), dtype=jnp.float32)
    edge_index = jax.random.randint(k_ei, (2, N_EDGES), 0, N_NODES, dtype=jnp.int64)
    # GCNConv linear weight (glorot) and bias
    limit = float(np.sqrt(6.0 / (DIMS + DIMS)))
    W = jax.random.uniform(k_w, (DIMS, DIMS), minval=-limit, maxval=limit, dtype=jnp.float32)
    b = jnp.zeros((DIMS,), dtype=jnp.float32)
    # BatchNorm1d affine params (running_mean=0, running_var=1 at init; eval mode)
    gamma = jnp.ones((DIMS,), dtype=jnp.float32)
    beta = jnp.zeros((DIMS,), dtype=jnp.float32)
    return {"x": x, "edge_index": edge_index, "W": W, "b": b, "gamma": gamma, "beta": beta}

def reference(x, edge_index, W, b, gamma, beta):
    N = x.shape[0]
    src = edge_index[0]
    dst = edge_index[1]
    # add self-loops (PyG GCNConv default)
    loop = jnp.arange(N, dtype=edge_index.dtype)
    src = jnp.concatenate([src, loop])
    dst = jnp.concatenate([dst, loop])
    ew = jnp.ones(src.shape[0], dtype=x.dtype)
    # symmetric normalization: deg computed at dst (col)
    deg = jnp.zeros((N,), dtype=x.dtype).at[dst].add(ew)
    deg_inv_sqrt = jnp.where(deg > 0, 1.0 / jnp.sqrt(deg), 0.0)
    norm = deg_inv_sqrt[src] * ew * deg_inv_sqrt[dst]
    # linear transform first, then propagate
    h = x @ W
    msg = h[src] * norm[:, None]
    out = jnp.zeros_like(h).at[dst].add(msg)
    out = out + b
    # BatchNorm1d eval mode: running_mean=0, running_var=1
    eps = 1e-5
    out = (out - 0.0) / jnp.sqrt(1.0 + eps) * gamma + beta
    out = jax.nn.relu(out)
    # residual add; dropout is identity in eval mode
    out = out + x
    return out

if __name__ == "__main__":
    import jax
    _d = setup_inputs()
    print(jax.jit(kernel)(*tuple(_d.values())))

</pallas_src>

<mosaic_0001>
#map = affine_map<(d0, d1) -> (0, 0)>
#map1 = affine_map<(d0, d1) -> (0)>
module attributes {stable_mosaic.version = 14 : i64} {
  func.func @_deg_kernel(%arg0: i32, %arg1: i32, %arg2: memref<4096x80xi32, #tpu.memory_space<hbm>>, %arg3: memref<10240xf32, #tpu.memory_space<hbm>>, %arg4: memref<20000xf32, #tpu.memory_space<hbm>>, %arg5: memref<128x80xi32, #tpu.memory_space<vmem>>, %arg6: memref<80xf32, #tpu.memory_space<vmem>>, %arg7: memref<10240xf32, #tpu.memory_space<vmem>>, %arg8: memref<10240xf32, #tpu.memory_space<vmem_shared>>, %arg9: memref<!tpu.dma_semaphore, #tpu.memory_space<semaphore_mem>>) attributes {dimension_semantics = [#tpu.dimension_semantics<core_parallel>, #tpu.dimension_semantics<subcore_parallel>], iteration_bounds = array<i64: 2, 16>, scalar_prefetch = 0 : i64, scratch_operands = 5 : i64, tpu.core_type = #tpu.core_type<sc_vector_subcore>, window_params = [{transform_indices = #map}, {transform_indices = #map1}, {transform_indices = #map1}]} {
    %mul3A = arith.constant 16 : i32
    %mul3A_0 = arith.muli %arg0, %mul3A : i32
    %add3A = arith.addi %mul3A_0, %arg1 : i32
    %mul3A_1 = arith.constant 128 : i32
    %mul3A_2 = arith.muli %add3A, %mul3A_1 : i32
    "tpu.region"() ({
      %run_scoped3A = tpu.sem_alloc : memref<!tpu.dma_semaphore, #tpu.memory_space<semaphore_mem>>
      %dma_start3A = arith.constant 0 : i32
      %dma_start3A_50 = tpu.memref_slice %arg2[%mul3A_2, %dma_start3A] : memref<4096x80xi32, #tpu.memory_space<hbm>> -> memref<128x80xi32, #tpu.memory_space<hbm>>
      %dma_start3A_51 = arith.constant 0 : i32
      %dma_start3A_52 = tpu.memref_slice %arg2[%mul3A_2, %dma_start3A_51] : memref<4096x80xi32, #tpu.memory_space<hbm>> -> memref<128x80xi32, #tpu.memory_space<hbm>>
      tpu.enqueue_dma source(%dma_start3A_52 : memref<128x80xi32, #tpu.memory_space<hbm>>) target(%arg5 : memref<128x80xi32, #tpu.memory_space<vmem>>) target_semaphore(%run_scoped3A : memref<!tpu.dma_semaphore, #tpu.memory_space<semaphore_mem>>)
      %dma_wait3A = arith.constant 0 : i32
      %dma_wait3A_53 = tpu.memref_slice %arg2[%mul3A_2, %dma_wait3A] : memref<4096x80xi32, #tpu.memory_space<hbm>> -> memref<128x80xi32, #tpu.memory_space<hbm>>
      %dma_wait3A_54 = arith.constant 0 : i32
      %dma_wait3A_55 = tpu.memref_slice %arg2[%mul3A_2, %dma_wait3A_54] : memref<4096x80xi32, #tpu.memory_space<hbm>> -> memref<128x80xi32, #tpu.memory_space<hbm>>
      tpu.wait_dma2 semaphore(%run_scoped3A : memref<!tpu.dma_semaphore, #tpu.memory_space<semaphore_mem>>) src(%dma_wait3A_55 : memref<128x80xi32, #tpu.memory_space<hbm>>) dst(%arg5 : memref<128x80xi32, #tpu.memory_space<vmem>>)
      tpu.yield
    }) : () -> ()
    %broadcast_in_dim3A = arith.constant 1.000000e+00 : f32
    %broadcast_in_dim3A_3 = vector.broadcast %broadcast_in_dim3A : f32 to vector<16xf32>
    %swap3A = arith.constant 0 : index
    %swap3A_4 = tpu.vector_load %arg6[%swap3A] {strides = array<i32>} : memref<80xf32, #tpu.memory_space<vmem>>, vector<16xf32>,
    %swap3A_5 = vector.shape_cast %swap3A_4 : vector<16xf32> to vector<16xf32>
    %swap3A_6 = vector.shape_cast %broadcast_in_dim3A_3 : vector<16xf32> to vector<16xf32>
    tpu.vector_store %arg6[%swap3A], %swap3A_6 {strides = array<i32>} : memref<80xf32, #tpu.memory_space<vmem>>, vector<16xf32>,
    %broadcast_in_dim3A_7 = arith.constant 1.000000e+00 : f32
    %broadcast_in_dim3A_8 = vector.broadcast %broadcast_in_dim3A_7 : f32 to vector<16xf32>
    %swap3A_9 = arith.constant 16 : index
    %swap3A_10 = tpu.vector_load %arg6[%swap3A_9] {strides = array<i32>} : memref<80xf32, #tpu.memory_space<vmem>>, vector<16xf32>,
    %swap3A_11 = vector.shape_cast %swap3A_10 : vector<16xf32> to vector<16xf32>
    %swap3A_12 = vector.shape_cast %broadcast_in_dim3A_8 : vector<16xf32> to vector<16xf32>
    tpu.vector_store %arg6[%swap3A_9], %swap3A_12 {strides = array<i32>} : memref<80xf32, #tpu.memory_space<vmem>>, vector<16xf32>,
    %broadcast_in_dim3A_13 = arith.constant 1.000000e+00 : f32
    %broadcast_in_dim3A_14 = vector.broadcast %broadcast_in_dim3A_13 : f32 to vector<16xf32>
    %swap3A_15 = arith.constant 32 : index
    %swap3A_16 = tpu.vector_load %arg6[%swap3A_15] {strides = array<i32>} : memref<80xf32, #tpu.memory_space<vmem>>, vector<16xf32>,
    %swap3A_17 = vector.shape_cast %swap3A_16 : vector<16xf32> to vector<16xf32>
    %swap3A_18 = vector.shape_cast %broadcast_in_dim3A_14 : vector<16xf32> to vector<16xf32>
    tpu.vector_store %arg6[%swap3A_15], %swap3A_18 {strides = array<i32>} : memref<80xf32, #tpu.memory_space<vmem>>, vector<16xf32>,
    %broadcast_in_dim3A_19 = arith.constant 1.000000e+00 : f32
    %broadcast_in_dim3A_20 = vector.broadcast %broadcast_in_dim3A_19 : f32 to vector<16xf32>
    %swap3A_21 = arith.constant 48 : index
    %swap3A_22 = tpu.vector_load %arg6[%swap3A_21] {strides = array<i32>} : memref<80xf32, #tpu.memory_space<vmem>>, vector<16xf32>,
    %swap3A_23 = vector.shape_cast %swap3A_22 : vector<16xf32> to vector<16xf32>
    %swap3A_24 = vector.shape_cast %broadcast_in_dim3A_20 : vector<16xf32> to vector<16xf32>
    tpu.vector_store %arg6[%swap3A_21], %swap3A_24 {strides = array<i32>} : memref<80xf32, #tpu.memory_space<vmem>>, vector<16xf32>,
    %broadcast_in_dim3A_25 = arith.constant 1.000000e+00 : f32
    %broadcast_in_dim3A_26 = vector.broadcast %broadcast_in_dim3A_25 : f32 to vector<16xf32>
    %swap3A_27 = arith.constant 64 : index
    %swap3A_28 = tpu.vector_load %arg6[%swap3A_27] {strides = array<i32>} : memref<80xf32, #tpu.memory_space<vmem>>, vector<16xf32>,
    %swap3A_29 = vector.shape_cast %swap3A_28 : vector<16xf32> to vector<16xf32>
    %swap3A_30 = vector.shape_cast %broadcast_in_dim3A_26 : vector<16xf32> to vector<16xf32>
    tpu.vector_store %arg6[%swap3A_27], %swap3A_30 {strides = array<i32>} : memref<80xf32, #tpu.memory_space<vmem>>, vector<16xf32>,
    %eq3A = arith.constant 0 : i32
    %eq3A_31 = arith.cmpi eq, %arg1, %eq3A : i32
    %convert_element_type3A = arith.extui %eq3A_31 : i1 to i32
    %cond3A = arith.constant 0 : i32
    %cond3A_32 = arith.cmpi ne, %convert_element_type3A, %cond3A : i32
    scf.if %cond3A_32 {
      "tpu.region"() ({
        %run_scoped3A = tpu.sem_alloc : memref<!tpu.dma_semaphore, #tpu.memory_space<semaphore_mem>>
        tpu.enqueue_dma source(%arg3 : memref<10240xf32, #tpu.memory_space<hbm>>) target(%arg7 : memref<10240xf32, #tpu.memory_space<vmem>>) target_semaphore(%run_scoped3A : memref<!tpu.dma_semaphore, #tpu.memory_space<semaphore_mem>>)
        tpu.wait_dma2 semaphore(%run_scoped3A : memref<!tpu.dma_semaphore, #tpu.memory_space<semaphore_mem>>) src(%arg3 : memref<10240xf32, #tpu.memory_space<hbm>>) dst(%arg7 : memref<10240xf32, #tpu.memory_space<vmem>>)
        tpu.yield
      }) : () -> ()
      "tpu.region"() ({
        %run_scoped3A = tpu.sem_alloc : memref<!tpu.dma_semaphore, #tpu.memory_space<semaphore_mem>>
        tpu.enqueue_dma source(%arg7 : memref<10240xf32, #tpu.memory_space<vmem>>) target(%arg8 : memref<10240xf32, #tpu.memory_space<vmem_shared>>) target_semaphore(%run_scoped3A : memref<!tpu.dma_semaphore, #tpu.memory_space<semaphore_mem>>)
        tpu.wait_dma2 semaphore(%run_scoped3A : memref<!tpu.dma_semaphore, #tpu.memory_space<semaphore_mem>>) src(%arg7 : memref<10240xf32, #tpu.memory_space<vmem>>) dst(%arg8 : memref<10240xf32, #tpu.memory_space<vmem_shared>>)
        tpu.yield
      }) : () -> ()
    } else {
    }
    %barrier3A = arith.constant 0 : index
    tpu.barrier barrier_id(%barrier3A)
    %scan3A = arith.constant 0 : i32
    %scan3A_33 = arith.constant 0 : i32
    %scan3A_34 = arith.constant 128 : i32
    %scan3A_35 = arith.addi %scan3A_33, %scan3A_34 : i32
    %scan3A_36 = arith.constant 1 : i32
    scf.for %scan3A_50 = %scan3A_33 to %scan3A_35 step %scan3A_36  : i32 {
      %ge3A = arith.constant 16 : i32
      %ge3A_51 = arith.cmpi sge, %scan3A_50, %ge3A : i32
      %convert_element_type3A_52 = arith.extui %ge3A_51 : i1 to i32
      %cond3A_53 = arith.constant 0 : i32
      %cond3A_54 = arith.cmpi ne, %convert_element_type3A_52, %cond3A_53 : i32
      scf.if %cond3A_54 {
        %dma_wait3A = arith.constant 0 : i32
        %dma_wait3A_59 = arith.constant 0 : i32
        %dma_wait3A_60 = tpu.memref_slice %arg5[%dma_wait3A, %dma_wait3A_59] : memref<128x80xi32, #tpu.memory_space<vmem>> -> memref<1x80xi32, #tpu.memory_space<vmem>>
        %dma_wait3A_61 = tpu.memref_squeeze %dma_wait3A_60 : memref<1x80xi32, #tpu.memory_space<vmem>> -> memref<80xi32, #tpu.memory_space<vmem>>
        %dma_wait3A_62 = arith.constant 0 : i32
        %dma_wait3A_63 = tpu.memref_slice %arg8[%dma_wait3A_62] : memref<10240xf32, #tpu.memory_space<vmem_shared>> -> memref<10240xf32, #tpu.memory_space<vmem_shared>>
        tpu.wait_indirect_dma semaphore(%arg9 : memref<!tpu.dma_semaphore, #tpu.memory_space<semaphore_mem>>) src(%arg6 : memref<80xf32, #tpu.memory_space<vmem>>) dst(%dma_wait3A_63 : memref<10240xf32, #tpu.memory_space<vmem_shared>>)
      } else {
      }
      %dma_start3A = arith.constant 0 : i32
      %dma_start3A_55 = tpu.memref_slice %arg5[%scan3A_50, %dma_start3A] : memref<128x80xi32, #tpu.memory_space<vmem>> -> memref<1x80xi32, #tpu.memory_space<vmem>>
      %dma_start3A_56 = tpu.memref_squeeze %dma_start3A_55 : memref<1x80xi32, #tpu.memory_space<vmem>> -> memref<80xi32, #tpu.memory_space<vmem>>
      %dma_start3A_57 = arith.constant 0 : i32
      %dma_start3A_58 = tpu.memref_slice %arg8[%dma_start3A_57] : memref<10240xf32, #tpu.memory_space<vmem_shared>> -> memref<10240xf32, #tpu.memory_space<vmem_shared>>
      tpu.enqueue_indirect_dma source(%arg6 : memref<80xf32, #tpu.memory_space<vmem>>) target(%dma_start3A_58 : memref<10240xf32, #tpu.memory_space<vmem_shared>>) offsets(%dma_start3A_56 : memref<80xi32, #tpu.memory_space<vmem>>) semaphore(%arg9 : memref<!tpu.dma_semaphore, #tpu.memory_space<semaphore_mem>>) {add = true}
    }
    %scan3A_37 = arith.constant 128 : i32
    %scan3A_38 = arith.constant 0 : i32
    %scan3A_39 = arith.constant 0 : i32
    %scan3A_40 = arith.constant 16 : i32
    %scan3A_41 = arith.addi %scan3A_39, %scan3A_40 : i32
    %scan3A_42 = arith.constant 1 : i32
    scf.for %scan3A_50 = %scan3A_39 to %scan3A_41 step %scan3A_42  : i32 {
      %dma_wait3A = arith.constant 0 : i32
      %dma_wait3A_51 = arith.constant 0 : i32
      %dma_wait3A_52 = tpu.memref_slice %arg5[%dma_wait3A, %dma_wait3A_51] : memref<128x80xi32, #tpu.memory_space<vmem>> -> memref<1x80xi32, #tpu.memory_space<vmem>>
      %dma_wait3A_53 = tpu.memref_squeeze %dma_wait3A_52 : memref<1x80xi32, #tpu.memory_space<vmem>> -> memref<80xi32, #tpu.memory_space<vmem>>
      %dma_wait3A_54 = arith.constant 0 : i32
      %dma_wait3A_55 = tpu.memref_slice %arg8[%dma_wait3A_54] : memref<10240xf32, #tpu.memory_space<vmem_shared>> -> memref<10240xf32, #tpu.memory_space<vmem_shared>>
      tpu.wait_indirect_dma semaphore(%arg9 : memref<!tpu.dma_semaphore, #tpu.memory_space<semaphore_mem>>) src(%arg6 : memref<80xf32, #tpu.memory_space<vmem>>) dst(%dma_wait3A_55 : memref<10240xf32, #tpu.memory_space<vmem_shared>>)
    }
    %scan3A_43 = arith.constant 16 : i32
    %barrier3A_44 = arith.constant 0 : index
    tpu.barrier barrier_id(%barrier3A_44)
    %eq3A_45 = arith.constant 0 : i32
    %eq3A_46 = arith.cmpi eq, %arg1, %eq3A_45 : i32
    %convert_element_type3A_47 = arith.extui %eq3A_46 : i1 to i32
    %cond3A_48 = arith.constant 0 : i32
    %cond3A_49 = arith.cmpi ne, %convert_element_type3A_47, %cond3A_48 : i32
    scf.if %cond3A_49 {
      "tpu.region"() ({
        %run_scoped3A = tpu.sem_alloc : memref<!tpu.dma_semaphore, #tpu.memory_space<semaphore_mem>>
        %dma_start3A = arith.constant 0 : i32
        %dma_start3A_52 = tpu.memref_slice %arg7[%dma_start3A] : memref<10240xf32, #tpu.memory_space<vmem>> -> memref<10000xf32, #tpu.memory_space<vmem>>
        %dma_start3A_53 = arith.constant 0 : i32
        %dma_start3A_54 = tpu.memref_slice %arg8[%dma_start3A_53] : memref<10240xf32, #tpu.memory_space<vmem_shared>> -> memref<10000xf32, #tpu.memory_space<vmem_shared>>
        %dma_start3A_55 = arith.constant 0 : i32
        %dma_start3A_56 = tpu.memref_slice %arg7[%dma_start3A_55] : memref<10240xf32, #tpu.memory_space<vmem>> -> memref<10000xf32, #tpu.memory_space<vmem>>
        %dma_start3A_57 = arith.constant 0 : i32
        %dma_start3A_58 = tpu.memref_slice %arg8[%dma_start3A_57] : memref<10240xf32, #tpu.memory_space<vmem_shared>> -> memref<10000xf32, #tpu.memory_space<vmem_shared>>
        tpu.enqueue_dma source(%dma_start3A_58 : memref<10000xf32, #tpu.memory_space<vmem_shared>>) target(%dma_start3A_56 : memref<10000xf32, #tpu.memory_space<vmem>>) target_semaphore(%run_scoped3A : memref<!tpu.dma_semaphore, #tpu.memory_space<semaphore_mem>>)
        %dma_wait3A = arith.constant 0 : i32
        %dma_wait3A_59 = tpu.memref_slice %arg7[%dma_wait3A] : memref<10240xf32, #tpu.memory_space<vmem>> -> memref<10000xf32, #tpu.memory_space<vmem>>
        %dma_wait3A_60 = arith.constant 0 : i32
        %dma_wait3A_61 = tpu.memref_slice %arg8[%dma_wait3A_60] : memref<10240xf32, #tpu.memory_space<vmem_shared>> -> memref<10000xf32, #tpu.memory_space<vmem_shared>>
        %dma_wait3A_62 = arith.constant 0 : i32
        %dma_wait3A_63 = tpu.memref_slice %arg7[%dma_wait3A_62] : memref<10240xf32, #tpu.memory_space<vmem>> -> memref<10000xf32, #tpu.memory_space<vmem>>
        %dma_wait3A_64 = arith.constant 0 : i32
        %dma_wait3A_65 = tpu.memref_slice %arg8[%dma_wait3A_64] : memref<10240xf32, #tpu.memory_space<vmem_shared>> -> memref<10000xf32, #tpu.memory_space<vmem_shared>>
        tpu.wait_dma2 semaphore(%run_scoped3A : memref<!tpu.dma_semaphore, #tpu.memory_space<semaphore_mem>>) src(%dma_wait3A_65 : memref<10000xf32, #tpu.memory_space<vmem_shared>>) dst(%dma_wait3A_63 : memref<10000xf32, #tpu.memory_space<vmem>>)
        tpu.yield
      }) : () -> ()
      %mul3A_50 = arith.constant 10000 : i32
      %mul3A_51 = arith.muli %arg0, %mul3A_50 : i32
      "tpu.region"() ({
        %run_scoped3A = tpu.sem_alloc : memref<!tpu.dma_semaphore, #tpu.memory_space<semaphore_mem>>
        %dma_start3A = arith.constant 0 : i32
        %dma_start3A_52 = tpu.memref_slice %arg7[%dma_start3A] : memref<10240xf32, #tpu.memory_space<vmem>> -> memref<10000xf32, #tpu.memory_space<vmem>>
        %dma_start3A_53 = tpu.memref_slice %arg4[%mul3A_51] : memref<20000xf32, #tpu.memory_space<hbm>> -> memref<10000xf32, #tpu.memory_space<hbm>>
        %dma_start3A_54 = tpu.memref_slice %arg4[%mul3A_51] : memref<20000xf32, #tpu.memory_space<hbm>> -> memref<10000xf32, #tpu.memory_space<hbm>>
        %dma_start3A_55 = arith.constant 0 : i32
        %dma_start3A_56 = tpu.memref_slice %arg7[%dma_start3A_55] : memref<10240xf32, #tpu.memory_space<vmem>> -> memref<10000xf32, #tpu.memory_space<vmem>>
        tpu.enqueue_dma source(%dma_start3A_56 : memref<10000xf32, #tpu.memory_space<vmem>>) target(%dma_start3A_54 : memref<10000xf32, #tpu.memory_space<hbm>>) target_semaphore(%run_scoped3A : memref<!tpu.dma_semaphore, #tpu.memory_space<semaphore_mem>>)
        %dma_wait3A = arith.constant 0 : i32
        %dma_wait3A_57 = tpu.memref_slice %arg7[%dma_wait3A] : memref<10240xf32, #tpu.memory_space<vmem>> -> memref<10000xf32, #tpu.memory_space<vmem>>
        %dma_wait3A_58 = tpu.memref_slice %arg4[%mul3A_51] : memref<20000xf32, #tpu.memory_space<hbm>> -> memref<10000xf32, #tpu.memory_space<hbm>>
        %dma_wait3A_59 = tpu.memref_slice %arg4[%mul3A_51] : memref<20000xf32, #tpu.memory_space<hbm>> -> memref<10000xf32, #tpu.memory_space<hbm>>
        %dma_wait3A_60 = arith.constant 0 : i32
        %dma_wait3A_61 = tpu.memref_slice %arg7[%dma_wait3A_60] : memref<10240xf32, #tpu.memory_space<vmem>> -> memref<10000xf32, #tpu.memory_space<vmem>>
        tpu.wait_dma2 semaphore(%run_scoped3A : memref<!tpu.dma_semaphore, #tpu.memory_space<semaphore_mem>>) src(%dma_wait3A_61 : memref<10000xf32, #tpu.memory_space<vmem>>) dst(%dma_wait3A_59 : memref<10000xf32, #tpu.memory_space<hbm>>)
        tpu.yield
      }) : () -> ()
    } else {
    }
    return
  }
}

#map = affine_map<(d0, d1) -> (0, 0)>
module attributes {stable_mosaic.version = 14 : i64} {
  func.func @_scatter_kernel(%arg0: i32, %arg1: i32, %arg2: memref<4096x80xi32, #tpu.memory_space<hbm>>, %arg3: memref<4096x80xi32, #tpu.memory_space<hbm>>, %arg4: memref<10000x128xf32, #tpu.memory_space<hbm>>, %arg5: memref<640x128xf32, #tpu.memory_space<hbm>>, %arg6: memref<20000x128xf32, #tpu.memory_space<hbm>>, %arg7: memref<128x80xi32, #tpu.memory_space<vmem>>, %arg8: memref<3x80xi32, #tpu.memory_space<vmem>>, %arg9: memref<3x80x128xf32, #tpu.memory_space<vmem>>, %arg10: memref<10240x128xf32, #tpu.memory_space<vmem_shared>>, %arg11: memref<!tpu.dma_semaphore, #tpu.memory_space<semaphore_mem>>, %arg12: memref<!tpu.dma_semaphore, #tpu.memory_space<semaphore_mem>>, %arg13: memref<!tpu.dma_semaphore, #tpu.memory_space<semaphore_mem>>, %arg14: memref<!tpu.dma_semaphore, #tpu.memory_space<semaphore_mem>>, %arg15: memref<!tpu.dma_semaphore, #tpu.memory_space<semaphore_mem>>, %arg16: memref<!tpu.dma_semaphore, #tpu.memory_space<semaphore_mem>>, %arg17: memref<!tpu.dma_semaphore, #tpu.memory_space<semaphore_mem>>, %arg18: memref<!tpu.dma_semaphore, #tpu.memory_space<semaphore_mem>>, %arg19: memref<!tpu.dma_semaphore, #tpu.memory_space<semaphore_mem>>) attributes {dimension_semantics = [#tpu.dimension_semantics<core_parallel>, #tpu.dimension_semantics<subcore_parallel>], iteration_bounds = array<i64: 2, 16>, scalar_prefetch = 0 : i64, scratch_operands = 13 : i64, tpu.core_type = #tpu.core_type<sc_vector_subcore>, window_params = [{transform_indices = #map}, {transform_indices = #map}, {transform_indices = #map}, {transform_indices = #map}, {transform_indices = #map}]} {
    %mul3A = arith.constant 16 : i32
    %mul3A_0 = arith.muli %arg0, %mul3A : i32
    %add3A = arith.addi %mul3A_0, %arg1 : i32
    %mul3A_1 = arith.constant 128 : i32
    %mul3A_2 = arith.muli %add3A, %mul3A_1 : i32
    "tpu.region"() ({
      %run_scoped3A = tpu.sem_alloc : memref<!tpu.dma_semaphore, #tpu.memory_space<semaphore_mem>>
      %dma_start3A_111 = arith.constant 0 : i32
      %dma_start3A_112 = tpu.memref_slice %arg2[%mul3A_2, %dma_start3A_111] : memref<4096x80xi32, #tpu.memory_space<hbm>> -> memref<128x80xi32, #tpu.memory_space<hbm>>
      %dma_start3A_113 = arith.constant 0 : i32
      %dma_start3A_114 = tpu.memref_slice %arg2[%mul3A_2, %dma_start3A_113] : memref<4096x80xi32, #tpu.memory_space<hbm>> -> memref<128x80xi32, #tpu.memory_space<hbm>>
      tpu.enqueue_dma source(%dma_start3A_114 : memref<128x80xi32, #tpu.memory_space<hbm>>) target(%arg7 : memref<128x80xi32, #tpu.memory_space<vmem>>) target_semaphore(%run_scoped3A : memref<!tpu.dma_semaphore, #tpu.memory_space<semaphore_mem>>)
      %dma_wait3A = arith.constant 0 : i32
      %dma_wait3A_115 = tpu.memref_slice %arg2[%mul3A_2, %dma_wait3A] : memref<4096x80xi32, #tpu.memory_space<hbm>> -> memref<128x80xi32, #tpu.memory_space<hbm>>
      %dma_wait3A_116 = arith.constant 0 : i32
      %dma_wait3A_117 = tpu.memref_slice %arg2[%mul3A_2, %dma_wait3A_116] : memref<4096x80xi32, #tpu.memory_space<hbm>> -> memref<128x80xi32, #tpu.memory_space<hbm>>
      tpu.wait_dma2 semaphore(%run_scoped3A : memref<!tpu.dma_semaphore, #tpu.memory_space<semaphore_mem>>) src(%dma_wait3A_117 : memref<128x80xi32, #tpu.memory_space<hbm>>) dst(%arg7 : memref<128x80xi32, #tpu.memory_space<vmem>>)
      tpu.yield
    }) : () -> ()
    %lt3A = arith.constant 15 : i32
    %lt3A_3 = arith.cmpi slt, %arg1, %lt3A : i32
    %convert_element_type3A = arith.extui %lt3A_3 : i1 to i32
    %cond3A = arith.constant 0 : i32
    %cond3A_4 = arith.cmpi ne, %convert_element_type3A, %cond3A : i32
    scf.if %cond3A_4 {
      %mul3A_111 = arith.constant 624 : i32
      %mul3A_112 = arith.muli %arg1, %mul3A_111 : i32
      "tpu.region"() ({
        %run_scoped3A = tpu.sem_alloc : memref<!tpu.dma_semaphore, #tpu.memory_space<semaphore_mem>>
        %dma_start3A_113 = arith.constant 0 : i32
        %dma_start3A_114 = tpu.memref_slice %arg10[%mul3A_112, %dma_start3A_113] : memref<10240x128xf32, #tpu.memory_space<vmem_shared>> -> memref<624x128xf32, #tpu.memory_space<vmem_shared>>
        %dma_start3A_115 = arith.constant 0 : i32
        %dma_start3A_116 = arith.constant 0 : i32
        %dma_start3A_117 = tpu.memref_slice %arg5[%dma_start3A_115, %dma_start3A_116] : memref<640x128xf32, #tpu.memory_space<hbm>> -> memref<624x128xf32, #tpu.memory_space<hbm>>
        tpu.enqueue_dma source(%dma_start3A_117 : memref<624x128xf32, #tpu.memory_space<hbm>>) target(%dma_start3A_114 : memref<624x128xf32, #tpu.memory_space<vmem_shared>>) target_semaphore(%run_scoped3A : memref<!tpu.dma_semaphore, #tpu.memory_space<semaphore_mem>>)
        %dma_wait3A = arith.constant 0 : i32
        %dma_wait3A_118 = tpu.memref_slice %arg10[%mul3A_112, %dma_wait3A] : memref<10240x128xf32, #tpu.memory_space<vmem_shared>> -> memref<624x128xf32, #tpu.memory_space<vmem_shared>>
        %dma_wait3A_119 = arith.constant 0 : i32
        %dma_wait3A_120 = arith.constant 0 : i32
        %dma_wait3A_121 = tpu.memref_slice %arg5[%dma_wait3A_119, %dma_wait3A_120] : memref<640x128xf32, #tpu.memory_space<hbm>> -> memref<624x128xf32, #tpu.memory_space<hbm>>
        tpu.wait_dma2 semaphore(%run_scoped3A : memref<!tpu.dma_semaphore, #tpu.memory_space<semaphore_mem>>) src(%dma_wait3A_121 : memref<624x128xf32, #tpu.memory_space<hbm>>) dst(%dma_wait3A_118 : memref<624x128xf32, #tpu.memory_space<vmem_shared>>)
        tpu.yield
      }) : () -> ()
    } else {
    }
    %eq3A = arith.constant 15 : i32
    %eq3A_5 = arith.cmpi eq, %arg1, %eq3A : i32
    %convert_element_type3A_6 = arith.extui %eq3A_5 : i1 to i32
    %cond3A_7 = arith.constant 0 : i32
    %cond3A_8 = arith.cmpi ne, %convert_element_type3A_6, %cond3A_7 : i32
    scf.if %cond3A_8 {
      "tpu.region"() ({
        %run_scoped3A = tpu.sem_alloc : memref<!tpu.dma_semaphore, #tpu.memory_space<semaphore_mem>>
        %dma_start3A_111 = arith.constant 9360 : i32
        %dma_start3A_112 = arith.constant 0 : i32
        %dma_start3A_113 = tpu.memref_slice %arg10[%dma_start3A_111, %dma_start3A_112] : memref<10240x128xf32, #tpu.memory_space<vmem_shared>> -> memref<640x128xf32, #tpu.memory_space<vmem_shared>>
        tpu.enqueue_dma source(%arg5 : memref<640x128xf32, #tpu.memory_space<hbm>>) target(%dma_start3A_113 : memref<640x128xf32, #tpu.memory_space<vmem_shared>>) target_semaphore(%run_scoped3A : memref<!tpu.dma_semaphore, #tpu.memory_space<semaphore_mem>>)
        %dma_wait3A = arith.constant 9360 : i32
        %dma_wait3A_114 = arith.constant 0 : i32
        %dma_wait3A_115 = tpu.memref_slice %arg10[%dma_wait3A, %dma_wait3A_114] : memref<10240x128xf32, #tpu.memory_space<vmem_shared>> -> memref<640x128xf32, #tpu.memory_space<vmem_shared>>
        tpu.wait_dma2 semaphore(%run_scoped3A : memref<!tpu.dma_semaphore, #tpu.memory_space<semaphore_mem>>) src(%arg5 : memref<640x128xf32, #tpu.memory_space<hbm>>) dst(%dma_wait3A_115 : memref<640x128xf32, #tpu.memory_space<vmem_shared>>)
        tpu.yield
      }) : () -> ()
    } else {
    }
    %barrier3A = arith.constant 0 : index
    tpu.barrier barrier_id(%barrier3A)
    %dma_start3A = arith.constant 0 : i32
    %dma_start3A_9 = arith.constant 0 : i32
    %dma_start3A_10 = arith.constant 0 : i32
    %dma_start3A_11 = arith.constant 0 : i32
    %dma_start3A_12 = tpu.memref_slice %arg9[%dma_start3A_9, %dma_start3A_10, %dma_start3A_11] : memref<3x80x128xf32, #tpu.memory_space<vmem>> -> memref<1x80x128xf32, #tpu.memory_space<vmem>>
    %dma_start3A_13 = tpu.memref_squeeze %dma_start3A_12 : memref<1x80x128xf32, #tpu.memory_space<vmem>> -> memref<80x128xf32, #tpu.memory_space<vmem>>
    %dma_start3A_14 = arith.constant 0 : i32
    %dma_start3A_15 = tpu.memref_slice %arg7[%dma_start3A, %dma_start3A_14] : memref<128x80xi32, #tpu.memory_space<vmem>> -> memref<1x80xi32, #tpu.memory_space<vmem>>
    %dma_start3A_16 = tpu.memref_squeeze %dma_start3A_15 : memref<1x80xi32, #tpu.memory_space<vmem>> -> memref<80xi32, #tpu.memory_space<vmem>>
    %dma_start3A_17 = arith.constant 0 : i32
    %dma_start3A_18 = arith.constant 0 : i32
    %dma_start3A_19 = tpu.memref_slice %arg4[%dma_start3A_17, %dma_start3A_18] : memref<10000x128xf32, #tpu.memory_space<hbm>> -> memref<10000x128xf32, #tpu.memory_space<hbm>>
    tpu.enqueue_indirect_dma source(%dma_start3A_19 : memref<10000x128xf32, #tpu.memory_space<hbm>>) target(%dma_start3A_13 : memref<80x128xf32, #tpu.memory_space<vmem>>) offsets(%dma_start3A_16 : memref<80xi32, #tpu.memory_space<vmem>>) semaphore(%arg11 : memref<!tpu.dma_semaphore, #tpu.memory_space<semaphore_mem>>)
    %mul3A_20 = arith.constant 128 : i32
    %mul3A_21 = arith.muli %add3A, %mul3A_20 : i32
    %add3A_22 = arith.constant 0 : i32
    %add3A_23 = arith.addi %mul3A_21, %add3A_22 : i32
    %dma_start3A_24 = arith.constant 0 : i32
    %dma_start3A_25 = arith.constant 0 : i32
    %dma_start3A_26 = tpu.memref_slice %arg8[%dma_start3A_24, %dma_start3A_25] : memref<3x80xi32, #tpu.memory_space<vmem>> -> memref<1x80xi32, #tpu.memory_space<vmem>>
    %dma_start3A_27 = tpu.memref_squeeze %dma_start3A_26 : memref<1x80xi32, #tpu.memory_space<vmem>> -> memref<80xi32, #tpu.memory_space<vmem>>
    %dma_start3A_28 = arith.constant 0 : i32
    %dma_start3A_29 = tpu.memref_slice %arg3[%add3A_23, %dma_start3A_28] : memref<4096x80xi32, #tpu.memory_space<hbm>> -> memref<1x80xi32, #tpu.memory_space<hbm>>
    %dma_start3A_30 = tpu.memref_squeeze %dma_start3A_29 : memref<1x80xi32, #tpu.memory_space<hbm>> -> memref<80xi32, #tpu.memory_space<hbm>>
    %dma_start3A_31 = arith.constant 0 : i32
    %dma_start3A_32 = tpu.memref_slice %arg8[%dma_start3A_24, %dma_start3A_31] : memref<3x80xi32, #tpu.memory_space<vmem>> -> memref<1x80xi32, #tpu.memory_space<vmem>>
    %dma_start3A_33 = tpu.memref_squeeze %dma_start3A_32 : memref<1x80xi32, #tpu.memory_space<vmem>> -> memref<80xi32, #tpu.memory_space<vmem>>
    %dma_start3A_34 = arith.constant 0 : i32
    %dma_start3A_35 = tpu.memref_slice %arg3[%add3A_23, %dma_start3A_34] : memref<4096x80xi32, #tpu.memory_space<hbm>> -> memref<1x80xi32, #tpu.memory_space<hbm>>
    %dma_start3A_36 = tpu.memref_squeeze %dma_start3A_35 : memref<1x80xi32, #tpu.memory_space<hbm>> -> memref<80xi32, #tpu.memory_space<hbm>>
    tpu.enqueue_dma source(%dma_start3A_36 : memref<80xi32, #tpu.memory_space<hbm>>) target(%dma_start3A_33 : memref<80xi32, #tpu.memory_space<vmem>>) target_semaphore(%arg14 : memref<!tpu.dma_semaphore, #tpu.memory_space<semaphore_mem>>)
    %dma_start3A_37 = arith.constant 1 : i32
    %dma_start3A_38 = arith.constant 1 : i32
    %dma_start3A_39 = arith.constant 0 : i32
    %dma_start3A_40 = arith.constant 0 : i32
    %dma_start3A_41 = tpu.memref_slice %arg9[%dma_start3A_38, %dma_start3A_39, %dma_start3A_40] : memref<3x80x128xf32, #tpu.memory_space<vmem>> -> memref<1x80x128xf32, #tpu.memory_space<vmem>>
    %dma_start3A_42 = tpu.memref_squeeze %dma_start3A_41 : memref<1x80x128xf32, #tpu.memory_space<vmem>> -> memref<80x128xf32, #tpu.memory_space<vmem>>
    %dma_start3A_43 = arith.constant 0 : i32
    %dma_start3A_44 = tpu.memref_slice %arg7[%dma_start3A_37, %dma_start3A_43] : memref<128x80xi32, #tpu.memory_space<vmem>> -> memref<1x80xi32, #tpu.memory_space<vmem>>
    %dma_start3A_45 = tpu.memref_squeeze %dma_start3A_44 : memref<1x80xi32, #tpu.memory_space<vmem>> -> memref<80xi32, #tpu.memory_space<vmem>>
    %dma_start3A_46 = arith.constant 0 : i32
    %dma_start3A_47 = arith.constant 0 : i32
    %dma_start3A_48 = tpu.memref_slice %arg4[%dma_start3A_46, %dma_start3A_47] : memref<10000x128xf32, #tpu.memory_space<hbm>> -> memref<10000x128xf32, #tpu.memory_space<hbm>>
    tpu.enqueue_indirect_dma source(%dma_start3A_48 : memref<10000x128xf32, #tpu.memory_space<hbm>>) target(%dma_start3A_42 : memref<80x128xf32, #tpu.memory_space<vmem>>) offsets(%dma_start3A_45 : memref<80xi32, #tpu.memory_space<vmem>>) semaphore(%arg12 : memref<!tpu.dma_semaphore, #tpu.memory_space<semaphore_mem>>)
    %mul3A_49 = arith.constant 128 : i32
    %mul3A_50 = arith.muli %add3A, %mul3A_49 : i32
    %add3A_51 = arith.constant 1 : i32
    %add3A_52 = arith.addi %mul3A_50, %add3A_51 : i32
    %dma_start3A_53 = arith.constant 1 : i32
    %dma_start3A_54 = arith.constant 0 : i32
    %dma_start3A_55 = tpu.memref_slice %arg8[%dma_start3A_53, %dma_start3A_54] : memref<3x80xi32, #tpu.memory_space<vmem>> -> memref<1x80xi32, #tpu.memory_space<vmem>>
    %dma_start3A_56 = tpu.memref_squeeze %dma_start3A_55 : memref<1x80xi32, #tpu.memory_space<vmem>> -> memref<80xi32, #tpu.memory_space<vmem>>
    %dma_start3A_57 = arith.constant 0 : i32
    %dma_start3A_58 = tpu.memref_slice %arg3[%add3A_52, %dma_start3A_57] : memref<4096x80xi32, #tpu.memory_space<hbm>> -> memref<1x80xi32, #tpu.memory_space<hbm>>
    %dma_start3A_59 = tpu.memref_squeeze %dma_start3A_58 : memref<1x80xi32, #tpu.memory_space<hbm>> -> memref<80xi32, #tpu.memory_space<hbm>>
    %dma_start3A_60 = arith.constant 0 : i32
    %dma_start3A_61 = tpu.memref_slice %arg8[%dma_start3A_53, %dma_start3A_60] : memref<3x80xi32, #tpu.memory_space<vmem>> -> memref<1x80xi32, #tpu.memory_space<vmem>>
    %dma_start3A_62 = tpu.memref_squeeze %dma_start3A_61 : memref<1x80xi32, #tpu.memory_space<vmem>> -> memref<80xi32, #tpu.memory_space<vmem>>
    %dma_start3A_63 = arith.constant 0 : i32
    %dma_start3A_64 = tpu.memref_slice %arg3[%add3A_52, %dma_start3A_63] : memref<4096x80xi32, #tpu.memory_space<hbm>> -> memref<1x80xi32, #tpu.memory_space<hbm>>
    %dma_start3A_65 = tpu.memref_squeeze %dma_start3A_64 : memref<1x80xi32, #tpu.memory_space<hbm>> -> memref<80xi32, #tpu.memory_space<hbm>>
    tpu.enqueue_dma source(%dma_start3A_65 : memref<80xi32, #tpu.memory_space<hbm>>) target(%dma_start3A_62 : memref<80xi32, #tpu.memory_space<vmem>>) target_semaphore(%arg15 : memref<!tpu.dma_semaphore, #tpu.memory_space<semaphore_mem>>)
    %dma_start3A_66 = arith.constant 2 : i32
    %dma_start3A_67 = arith.constant 2 : i32
    %dma_start3A_68 = arith.constant 0 : i32
    %dma_start3A_69 = arith.constant 0 : i32
    %dma_start3A_70 = tpu.memref_slice %arg9[%dma_start3A_67, %dma_start3A_68, %dma_start3A_69] : memref<3x80x128xf32, #tpu.memory_space<vmem>> -> memref<1x80x128xf32, #tpu.memory_space<vmem>>
    %dma_start3A_71 = tpu.memref_squeeze %dma_start3A_70 : memref<1x80x128xf32, #tpu.memory_space<vmem>> -> memref<80x128xf32, #tpu.memory_space<vmem>>
    %dma_start3A_72 = arith.constant 0 : i32
    %dma_start3A_73 = tpu.memref_slice %arg7[%dma_start3A_66, %dma_start3A_72] : memref<128x80xi32, #tpu.memory_space<vmem>> -> memref<1x80xi32, #tpu.memory_space<vmem>>
    %dma_start3A_74 = tpu.memref_squeeze %dma_start3A_73 : memref<1x80xi32, #tpu.memory_space<vmem>> -> memref<80xi32, #tpu.memory_space<vmem>>
    %dma_start3A_75 = arith.constant 0 : i32
    %dma_start3A_76 = arith.constant 0 : i32
    %dma_start3A_77 = tpu.memref_slice %arg4[%dma_start3A_75, %dma_start3A_76] : memref<10000x128xf32, #tpu.memory_space<hbm>> -> memref<10000x128xf32, #tpu.memory_space<hbm>>
    tpu.enqueue_indirect_dma source(%dma_start3A_77 : memref<10000x128xf32, #tpu.memory_space<hbm>>) target(%dma_start3A_71 : memref<80x128xf32, #tpu.memory_space<vmem>>) offsets(%dma_start3A_74 : memref<80xi32, #tpu.memory_space<vmem>>) semaphore(%arg13 : memref<!tpu.dma_semaphore, #tpu.memory_space<semaphore_mem>>)
    %mul3A_78 = arith.constant 128 : i32
    %mul3A_79 = arith.muli %add3A, %mul3A_78 : i32
    %add3A_80 = arith.constant 2 : i32
    %add3A_81 = arith.addi %mul3A_79, %add3A_80 : i32
    %dma_start3A_82 = arith.constant 2 : i32
    %dma_start3A_83 = arith.constant 0 : i32
    %dma_start3A_84 = tpu.memref_slice %arg8[%dma_start3A_82, %dma_start3A_83] : memref<3x80xi32, #tpu.memory_space<vmem>> -> memref<1x80xi32, #tpu.memory_space<vmem>>
    %dma_start3A_85 = tpu.memref_squeeze %dma_start3A_84 : memref<1x80xi32, #tpu.memory_space<vmem>> -> memref<80xi32, #tpu.memory_space<vmem>>
    %dma_start3A_86 = arith.constant 0 : i32
    %dma_start3A_87 = tpu.memref_slice %arg3[%add3A_81, %dma_start3A_86] : memref<4096x80xi32, #tpu.memory_space<hbm>> -> memref<1x80xi32, #tpu.memory_space<hbm>>
    %dma_start3A_88 = tpu.memref_squeeze %dma_start3A_87 : memref<1x80xi32, #tpu.memory_space<hbm>> -> memref<80xi32, #tpu.memory_space<hbm>>
    %dma_start3A_89 = arith.constant 0 : i32
    %dma_start3A_90 = tpu.memref_slice %arg8[%dma_start3A_82, %dma_start3A_89] : memref<3x80xi32, #tpu.memory_space<vmem>> -> memref<1x80xi32, #tpu.memory_space<vmem>>
    %dma_start3A_91 = tpu.memref_squeeze %dma_start3A_90 : memref<1x80xi32, #tpu.memory_space<vmem>> -> memref<80xi32, #tpu.memory_space<vmem>>
    %dma_start3A_92 = arith.constant 0 : i32
    %dma_start3A_93 = tpu.memref_slice %arg3[%add3A_81, %dma_start3A_92] : memref<4096x80xi32, #tpu.memory_space<hbm>> -> memref<1x80xi32, #tpu.memory_space<hbm>>
    %dma_start3A_94 = tpu.memref_squeeze %dma_start3A_93 : memref<1x80xi32, #tpu.memory_space<hbm>> -> memref<80xi32, #tpu.memory_space<hbm>>
    tpu.enqueue_dma source(%dma_start3A_94 : memref<80xi32, #tpu.memory_space<hbm>>) target(%dma_start3A_91 : memref<80xi32, #tpu.memory_space<vmem>>) target_semaphore(%arg16 : memref<!tpu.dma_semaphore, #tpu.memory_space<semaphore_mem>>)
    %scan3A = arith.constant 0 : i32
    %scan3A_95 = arith.constant 0 : i32
    %scan3A_96 = arith.constant 43 : i32
    %scan3A_97 = arith.addi %scan3A_95, %scan3A_96 : i32
    %scan3A_98 = arith.constant 1 : i32
    scf.for %scan3A_111 = %scan3A_95 to %scan3A_97 step %scan3A_98  : i32 {
      %mul3A_112 = arith.constant 3 : i32
      %mul3A_113 = arith.muli %mul3A_112, %scan3A_111 : i32
      %add3A_114 = arith.constant 0 : i32
      %add3A_115 = arith.addi %mul3A_113, %add3A_114 : i32
      %lt3A_116 = arith.constant 128 : i32
      %lt3A_117 = arith.cmpi slt, %add3A_115, %lt3A_116 : i32
      %convert_element_type3A_118 = arith.extui %lt3A_117 : i1 to i32
      %cond3A_119 = arith.constant 0 : i32
      %cond3A_120 = arith.cmpi ne, %convert_element_type3A_118, %cond3A_119 : i32
      scf.if %cond3A_120 {
        %dma_wait3A = arith.constant 0 : i32
        %dma_wait3A_166 = arith.constant 0 : i32
        %dma_wait3A_167 = arith.constant 0 : i32
        %dma_wait3A_168 = tpu.memref_slice %arg8[%dma_wait3A_166, %dma_wait3A_167] : memref<3x80xi32, #tpu.memory_space<vmem>> -> memref<1x80xi32, #tpu.memory_space<vmem>>
        %dma_wait3A_169 = tpu.memref_squeeze %dma_wait3A_168 : memref<1x80xi32, #tpu.memory_space<vmem>> -> memref<80xi32, #tpu.memory_space<vmem>>
        %dma_wait3A_170 = arith.constant 0 : i32
        %dma_wait3A_171 = tpu.memref_slice %arg3[%dma_wait3A, %dma_wait3A_170] : memref<4096x80xi32, #tpu.memory_space<hbm>> -> memref<1x80xi32, #tpu.memory_space<hbm>>
        %dma_wait3A_172 = tpu.memref_squeeze %dma_wait3A_171 : memref<1x80xi32, #tpu.memory_space<hbm>> -> memref<80xi32, #tpu.memory_space<hbm>>
        %dma_wait3A_173 = arith.constant 0 : i32
        %dma_wait3A_174 = tpu.memref_slice %arg8[%dma_wait3A_166, %dma_wait3A_173] : memref<3x80xi32, #tpu.memory_space<vmem>> -> memref<1x80xi32, #tpu.memory_space<vmem>>
        %dma_wait3A_175 = tpu.memref_squeeze %dma_wait3A_174 : memref<1x80xi32, #tpu.memory_space<vmem>> -> memref<80xi32, #tpu.memory_space<vmem>>
        %dma_wait3A_176 = arith.constant 0 : i32
        %dma_wait3A_177 = tpu.memref_slice %arg3[%dma_wait3A, %dma_wait3A_176] : memref<4096x80xi32, #tpu.memory_space<hbm>> -> memref<1x80xi32, #tpu.memory_space<hbm>>
        %dma_wait3A_178 = tpu.memref_squeeze %dma_wait3A_177 : memref<1x80xi32, #tpu.memory_space<hbm>> -> memref<80xi32, #tpu.memory_space<hbm>>
        tpu.wait_dma2 semaphore(%arg14 : memref<!tpu.dma_semaphore, #tpu.memory_space<semaphore_mem>>) src(%dma_wait3A_178 : memref<80xi32, #tpu.memory_space<hbm>>) dst(%dma_wait3A_175 : memref<80xi32, #tpu.memory_space<vmem>>)
        %dma_wait3A_179 = arith.constant 0 : i32
        %dma_wait3A_180 = arith.constant 0 : i32
        %dma_wait3A_181 = arith.constant 0 : i32
        %dma_wait3A_182 = arith.constant 0 : i32
        %dma_wait3A_183 = tpu.memref_slice %arg9[%dma_wait3A_180, %dma_wait3A_181, %dma_wait3A_182] : memref<3x80x128xf32, #tpu.memory_space<vmem>> -> memref<1x80x128xf32, #tpu.memory_space<vmem>>
        %dma_wait3A_184 = tpu.memref_squeeze %dma_wait3A_183 : memref<1x80x128xf32, #tpu.memory_space<vmem>> -> memref<80x128xf32, #tpu.memory_space<vmem>>
        %dma_wait3A_185 = arith.constant 0 : i32
        %dma_wait3A_186 = tpu.memref_slice %arg7[%dma_wait3A_179, %dma_wait3A_185] : memref<128x80xi32, #tpu.memory_space<vmem>> -> memref<1x80xi32, #tpu.memory_space<vmem>>
        %dma_wait3A_187 = tpu.memref_squeeze %dma_wait3A_186 : memref<1x80xi32, #tpu.memory_space<vmem>> -> memref<80xi32, #tpu.memory_space<vmem>>
        %dma_wait3A_188 = arith.constant 0 : i32
        %dma_wait3A_189 = arith.constant 0 : i32
        %dma_wait3A_190 = tpu.memref_slice %arg4[%dma_wait3A_188, %dma_wait3A_189] : memref<10000x128xf32, #tpu.memory_space<hbm>> -> memref<10000x128xf32, #tpu.memory_space<hbm>>
        tpu.wait_indirect_dma semaphore(%arg11 : memref<!tpu.dma_semaphore, #tpu.memory_space<semaphore_mem>>) src(%dma_wait3A_190 : memref<10000x128xf32, #tpu.memory_space<hbm>>) dst(%dma_wait3A_184 : memref<80x128xf32, #tpu.memory_space<vmem>>)
        %dma_start3A_191 = arith.constant 0 : i32
        %dma_start3A_192 = arith.constant 0 : i32
        %dma_start3A_193 = arith.constant 0 : i32
        %dma_start3A_194 = arith.constant 0 : i32
        %dma_start3A_195 = tpu.memref_slice %arg9[%dma_start3A_191, %dma_start3A_193, %dma_start3A_194] : memref<3x80x128xf32, #tpu.memory_space<vmem>> -> memref<1x80x128xf32, #tpu.memory_space<vmem>>
        %dma_start3A_196 = tpu.memref_squeeze %dma_start3A_195 : memref<1x80x128xf32, #tpu.memory_space<vmem>> -> memref<80x128xf32, #tpu.memory_space<vmem>>
        %dma_start3A_197 = arith.constant 0 : i32
        %dma_start3A_198 = tpu.memref_slice %arg8[%dma_start3A_192, %dma_start3A_197] : memref<3x80xi32, #tpu.memory_space<vmem>> -> memref<1x80xi32, #tpu.memory_space<vmem>>
        %dma_start3A_199 = tpu.memref_squeeze %dma_start3A_198 : memref<1x80xi32, #tpu.memory_space<vmem>> -> memref<80xi32, #tpu.memory_space<vmem>>
        %dma_start3A_200 = arith.constant 0 : i32
        %dma_start3A_201 = arith.constant 0 : i32
        %dma_start3A_202 = tpu.memref_slice %arg10[%dma_start3A_200, %dma_start3A_201] : memref<10240x128xf32, #tpu.memory_space<vmem_shared>> -> memref<10240x128xf32, #tpu.memory_space<vmem_shared>>
        tpu.enqueue_indirect_dma source(%dma_start3A_196 : memref<80x128xf32, #tpu.memory_space<vmem>>) target(%dma_start3A_202 : memref<10240x128xf32, #tpu.memory_space<vmem_shared>>) offsets(%dma_start3A_199 : memref<80xi32, #tpu.memory_space<vmem>>) semaphore(%arg17 : memref<!tpu.dma_semaphore, #tpu.memory_space<semaphore_mem>>) {add = true}
      } else {
      }
      %mul3A_121 = arith.constant 3 : i32
      %mul3A_122 = arith.muli %mul3A_121, %scan3A_111 : i32
      %add3A_123 = arith.constant 1 : i32
      %add3A_124 = arith.addi %mul3A_122, %add3A_123 : i32
      %lt3A_125 = arith.constant 128 : i32
      %lt3A_126 = arith.cmpi slt, %add3A_124, %lt3A_125 : i32
      %convert_element_type3A_127 = arith.extui %lt3A_126 : i1 to i32
      %cond3A_128 = arith.constant 0 : i32
      %cond3A_129 = arith.cmpi ne, %convert_element_type3A_127, %cond3A_128 : i32
      scf.if %cond3A_129 {
        %dma_wait3A = arith.constant 0 : i32
        %dma_wait3A_166 = arith.constant 1 : i32
        %dma_wait3A_167 = arith.constant 0 : i32
        %dma_wait3A_168 = tpu.memref_slice %arg8[%dma_wait3A_166, %dma_wait3A_167] : memref<3x80xi32, #tpu.memory_space<vmem>> -> memref<1x80xi32, #tpu.memory_space<vmem>>
        %dma_wait3A_169 = tpu.memref_squeeze %dma_wait3A_168 : memref<1x80xi32, #tpu.memory_space<vmem>> -> memref<80xi32, #tpu.memory_space<vmem>>
        %dma_wait3A_170 = arith.constant 0 : i32
        %dma_wait3A_171 = tpu.memref_slice %arg3[%dma_wait3A, %dma_wait3A_170] : memref<4096x80xi32, #tpu.memory_space<hbm>> -> memref<1x80xi32, #tpu.memory_space<hbm>>
        %dma_wait3A_172 = tpu.memref_squeeze %dma_wait3A_171 : memref<1x80xi32, #tpu.memory_space<hbm>> -> memref<80xi32, #tpu.memory_space<hbm>>
        %dma_wait3A_173 = arith.constant 0 : i32
        %dma_wait3A_174 = tpu.memref_slice %arg8[%dma_wait3A_166, %dma_wait3A_173] : memref<3x80xi32, #tpu.memory_space<vmem>> -> memref<1x80xi32, #tpu.memory_space<vmem>>
        %dma_wait3A_175 = tpu.memref_squeeze %dma_wait3A_174 : memref<1x80xi32, #tpu.memory_space<vmem>> -> memref<80xi32, #tpu.memory_space<vmem>>
        %dma_wait3A_176 = arith.constant 0 : i32
        %dma_wait3A_177 = tpu.memref_slice %arg3[%dma_wait3A, %dma_wait3A_176] : memref<4096x80xi32, #tpu.memory_space<hbm>> -> memref<1x80xi32, #tpu.memory_space<hbm>>
        %dma_wait3A_178 = tpu.memref_squeeze %dma_wait3A_177 : memref<1x80xi32, #tpu.memory_space<hbm>> -> memref<80xi32, #tpu.memory_space<hbm>>
        tpu.wait_dma2 semaphore(%arg15 : memref<!tpu.dma_semaphore, #tpu.memory_space<semaphore_mem>>) src(%dma_wait3A_178 : memref<80xi32, #tpu.memory_space<hbm>>) dst(%dma_wait3A_175 : memref<80xi32, #tpu.memory_space<vmem>>)
        %dma_wait3A_179 = arith.constant 0 : i32
        %dma_wait3A_180 = arith.constant 1 : i32
        %dma_wait3A_181 = arith.constant 0 : i32
        %dma_wait3A_182 = arith.constant 0 : i32
        %dma_wait3A_183 = tpu.memref_slice %arg9[%dma_wait3A_180, %dma_wait3A_181, %dma_wait3A_182] : memref<3x80x128xf32, #tpu.memory_space<vmem>> -> memref<1x80x128xf32, #tpu.memory_space<vmem>>
        %dma_wait3A_184 = tpu.memref_squeeze %dma_wait3A_183 : memref<1x80x128xf32, #tpu.memory_space<vmem>> -> memref<80x128xf32, #tpu.memory_space<vmem>>
        %dma_wait3A_185 = arith.constant 0 : i32
        %dma_wait3A_186 = tpu.memref_slice %arg7[%dma_wait3A_179, %dma_wait3A_185] : memref<128x80xi32, #tpu.memory_space<vmem>> -> memref<1x80xi32, #tpu.memory_space<vmem>>
        %dma_wait3A_187 = tpu.memref_squeeze %dma_wait3A_186 : memref<1x80xi32, #tpu.memory_space<vmem>> -> memref<80xi32, #tpu.memory_space<vmem>>
        %dma_wait3A_188 = arith.constant 0 : i32
        %dma_wait3A_189 = arith.constant 0 : i32
        %dma_wait3A_190 = tpu.memref_slice %arg4[%dma_wait3A_188, %dma_wait3A_189] : memref<10000x128xf32, #tpu.memory_space<hbm>> -> memref<10000x128xf32, #tpu.memory_space<hbm>>
        tpu.wait_indirect_dma semaphore(%arg12 : memref<!tpu.dma_semaphore, #tpu.memory_space<semaphore_mem>>) src(%dma_wait3A_190 : memref<10000x128xf32, #tpu.memory_space<hbm>>) dst(%dma_wait3A_184 : memref<80x128xf32, #tpu.memory_space<vmem>>)
        %dma_start3A_191 = arith.constant 1 : i32
        %dma_start3A_192 = arith.constant 1 : i32
        %dma_start3A_193 = arith.constant 0 : i32
        %dma_start3A_194 = arith.constant 0 : i32
        %dma_start3A_195 = tpu.memref_slice %arg9[%dma_start3A_191, %dma_start3A_193, %dma_start3A_194] : memref<3x80x128xf32, #tpu.memory_space<vmem>> -> memref<1x80x128xf32, #tpu.memory_space<vmem>>
        %dma_start3A_196 = tpu.memref_squeeze %dma_start3A_195 : memref<1x80x128xf32, #tpu.memory_space<vmem>> -> memref<80x128xf32, #tpu.memory_space<vmem>>
        %dma_start3A_197 = arith.constant 0 : i32
        %dma_start3A_198 = tpu.memref_slice %arg8[%dma_start3A_192, %dma_start3A_197] : memref<3x80xi32, #tpu.memory_space<vmem>> -> memref<1x80xi32, #tpu.memory_space<vmem>>
        %dma_start3A_199 = tpu.memref_squeeze %dma_start3A_198 : memref<1x80xi32, #tpu.memory_space<vmem>> -> memref<80xi32, #tpu.memory_space<vmem>>
        %dma_start3A_200 = arith.constant 0 : i32
        %dma_start3A_201 = arith.constant 0 : i32
        %dma_start3A_202 = tpu.memref_slice %arg10[%dma_start3A_200, %dma_start3A_201] : memref<10240x128xf32, #tpu.memory_space<vmem_shared>> -> memref<10240x128xf32, #tpu.memory_space<vmem_shared>>
        tpu.enqueue_indirect_dma source(%dma_start3A_196 : memref<80x128xf32, #tpu.memory_space<vmem>>) target(%dma_start3A_202 : memref<10240x128xf32, #tpu.memory_space<vmem_shared>>) offsets(%dma_start3A_199 : memref<80xi32, #tpu.memory_space<vmem>>) semaphore(%arg18 : memref<!tpu.dma_semaphore, #tpu.memory_space<semaphore_mem>>) {add = true}
      } else {
      }
      %mul3A_130 = arith.constant 3 : i32
      %mul3A_131 = arith.muli %mul3A_130, %scan3A_111 : i32
      %add3A_132 = arith.constant 2 : i32
      %add3A_133 = arith.addi %mul3A_131, %add3A_132 : i32
      %lt3A_134 = arith.constant 128 : i32
      %lt3A_135 = arith.cmpi slt, %add3A_133, %lt3A_134 : i32
      %convert_element_type3A_136 = arith.extui %lt3A_135 : i1 to i32
      %cond3A_137 = arith.constant 0 : i32
      %cond3A_138 = arith.cmpi ne, %convert_element_type3A_136, %cond3A_137 : i32
      scf.if %cond3A_138 {
        %dma_wait3A = arith.constant 0 : i32
        %dma_wait3A_166 = arith.constant 2 : i32
        %dma_wait3A_167 = arith.constant 0 : i32
        %dma_wait3A_168 = tpu.memref_slice %arg8[%dma_wait3A_166, %dma_wait3A_167] : memref<3x80xi32, #tpu.memory_space<vmem>> -> memref<1x80xi32, #tpu.memory_space<vmem>>
        %dma_wait3A_169 = tpu.memref_squeeze %dma_wait3A_168 : memref<1x80xi32, #tpu.memory_space<vmem>> -> memref<80xi32, #tpu.memory_space<vmem>>
        %dma_wait3A_170 = arith.constant 0 : i32
        %dma_wait3A_171 = tpu.memref_slice %arg3[%dma_wait3A, %dma_wait3A_170] : memref<4096x80xi32, #tpu.memory_space<hbm>> -> memref<1x80xi32, #tpu.memory_space<hbm>>
        %dma_wait3A_172 = tpu.memref_squeeze %dma_wait3A_171 : memref<1x80xi32, #tpu.memory_space<hbm>> -> memref<80xi32, #tpu.memory_space<hbm>>
        %dma_wait3A_173 = arith.constant 0 : i32
        %dma_wait3A_174 = tpu.memref_slice %arg8[%dma_wait3A_166, %dma_wait3A_173] : memref<3x80xi32, #tpu.memory_space<vmem>> -> memref<1x80xi32, #tpu.memory_space<vmem>>
        %dma_wait3A_175 = tpu.memref_squeeze %dma_wait3A_174 : memref<1x80xi32, #tpu.memory_space<vmem>> -> memref<80xi32, #tpu.memory_space<vmem>>
        %dma_wait3A_176 = arith.constant 0 : i32
        %dma_wait3A_177 = tpu.memref_slice %arg3[%dma_wait3A, %dma_wait3A_176] : memref<4096x80xi32, #tpu.memory_space<hbm>> -> memref<1x80xi32, #tpu.memory_space<hbm>>
        %dma_wait3A_178 = tpu.memref_squeeze %dma_wait3A_177 : memref<1x80xi32, #tpu.memory_space<hbm>> -> memref<80xi32, #tpu.memory_space<hbm>>
        tpu.wait_dma2 semaphore(%arg16 : memref<!tpu.dma_semaphore, #tpu.memory_space<semaphore_mem>>) src(%dma_wait3A_178 : memref<80xi32, #tpu.memory_space<hbm>>) dst(%dma_wait3A_175 : memref<80xi32, #tpu.memory_space<vmem>>)
        %dma_wait3A_179 = arith.constant 0 : i32
        %dma_wait3A_180 = arith.constant 2 : i32
        %dma_wait3A_181 = arith.constant 0 : i32
        %dma_wait3A_182 = arith.constant 0 : i32
        %dma_wait3A_183 = tpu.memref_slice %arg9[%dma_wait3A_180, %dma_wait3A_181, %dma_wait3A_182] : memref<3x80x128xf32, #tpu.memory_space<vmem>> -> memref<1x80x128xf32, #tpu.memory_space<vmem>>
        %dma_wait3A_184 = tpu.memref_squeeze %dma_wait3A_183 : memref<1x80x128xf32, #tpu.memory_space<vmem>> -> memref<80x128xf32, #tpu.memory_space<vmem>>
        %dma_wait3A_185 = arith.constant 0 : i32
        %dma_wait3A_186 = tpu.memref_slice %arg7[%dma_wait3A_179, %dma_wait3A_185] : memref<128x80xi32, #tpu.memory_space<vmem>> -> memref<1x80xi32, #tpu.memory_space<vmem>>
        %dma_wait3A_187 = tpu.memref_squeeze %dma_wait3A_186 : memref<1x80xi32, #tpu.memory_space<vmem>> -> memref<80xi32, #tpu.memory_space<vmem>>
        %dma_wait3A_188 = arith.constant 0 : i32
        %dma_wait3A_189 = arith.constant 0 : i32
        %dma_wait3A_190 = tpu.memref_slice %arg4[%dma_wait3A_188, %dma_wait3A_189] : memref<10000x128xf32, #tpu.memory_space<hbm>> -> memref<10000x128xf32, #tpu.memory_space<hbm>>
        tpu.wait_indirect_dma semaphore(%arg13 : memref<!tpu.dma_semaphore, #tpu.memory_space<semaphore_mem>>) src(%dma_wait3A_190 : memref<10000x128xf32, #tpu.memory_space<hbm>>) dst(%dma_wait3A_184 : memref<80x128xf32, #tpu.memory_space<vmem>>)
        %dma_start3A_191 = arith.constant 2 : i32
        %dma_start3A_192 = arith.constant 2 : i32
        %dma_start3A_193 = arith.constant 0 : i32
        %dma_start3A_194 = arith.constant 0 : i32
        %dma_start3A_195 = tpu.memref_slice %arg9[%dma_start3A_191, %dma_start3A_193, %dma_start3A_194] : memref<3x80x128xf32, #tpu.memory_space<vmem>> -> memref<1x80x128xf32, #tpu.memory_space<vmem>>
        %dma_start3A_196 = tpu.memref_squeeze %dma_start3A_195 : memref<1x80x128xf32, #tpu.memory_space<vmem>> -> memref<80x128xf32, #tpu.memory_space<vmem>>
        %dma_start3A_197 = arith.constant 0 : i32
        %dma_start3A_198 = tpu.memref_slice %arg8[%dma_start3A_192, %dma_start3A_197] : memref<3x80xi32, #tpu.memory_space<vmem>> -> memref<1x80xi32, #tpu.memory_space<vmem>>
        %dma_start3A_199 = tpu.memref_squeeze %dma_start3A_198 : memref<1x80xi32, #tpu.memory_space<vmem>> -> memref<80xi32, #tpu.memory_space<vmem>>
        %dma_start3A_200 = arith.constant 0 : i32
        %dma_start3A_201 = arith.constant 0 : i32
        %dma_start3A_202 = tpu.memref_slice %arg10[%dma_start3A_200, %dma_start3A_201] : memref<10240x128xf32, #tpu.memory_space<vmem_shared>> -> memref<10240x128xf32, #tpu.memory_space<vmem_shared>>
        tpu.enqueue_indirect_dma source(%dma_start3A_196 : memref<80x128xf32, #tpu.memory_space<vmem>>) target(%dma_start3A_202 : memref<10240x128xf32, #tpu.memory_space<vmem_shared>>) offsets(%dma_start3A_199 : memref<80xi32, #tpu.memory_space<vmem>>) semaphore(%arg19 : memref<!tpu.dma_semaphore, #tpu.memory_space<semaphore_mem>>) {add = true}
      } else {
      }
      %mul3A_139 = arith.constant 3 : i32
      %mul3A_140 = arith.muli %mul3A_139, %scan3A_111 : i32
      %add3A_141 = arith.constant 0 : i32
      %add3A_142 = arith.addi %mul3A_140, %add3A_141 : i32
      %lt3A_143 = arith.constant 128 : i32
      %lt3A_144 = arith.cmpi slt, %add3A_142, %lt3A_143 : i32
      %convert_element_type3A_145 = arith.extui %lt3A_144 : i1 to i32
      %cond3A_146 = arith.constant 0 : i32
      %cond3A_147 = arith.cmpi ne, %convert_element_type3A_145, %cond3A_146 : i32
      scf.if %cond3A_147 {
        %dma_wait3A = arith.constant 0 : i32
        %dma_wait3A_166 = arith.constant 0 : i32
        %dma_wait3A_167 = arith.constant 0 : i32
        %dma_wait3A_168 = arith.constant 0 : i32
        %dma_wait3A_169 = tpu.memref_slice %arg9[%dma_wait3A, %dma_wait3A_167, %dma_wait3A_168] : memref<3x80x128xf32, #tpu.memory_space<vmem>> -> memref<1x80x128xf32, #tpu.memory_space<vmem>>
        %dma_wait3A_170 = tpu.memref_squeeze %dma_wait3A_169 : memref<1x80x128xf32, #tpu.memory_space<vmem>> -> memref<80x128xf32, #tpu.memory_space<vmem>>
        %dma_wait3A_171 = arith.constant 0 : i32
        %dma_wait3A_172 = tpu.memref_slice %arg8[%dma_wait3A_166, %dma_wait3A_171] : memref<3x80xi32, #tpu.memory_space<vmem>> -> memref<1x80xi32, #tpu.memory_space<vmem>>
        %dma_wait3A_173 = tpu.memref_squeeze %dma_wait3A_172 : memref<1x80xi32, #tpu.memory_space<vmem>> -> memref<80xi32, #tpu.memory_space<vmem>>
        %dma_wait3A_174 = arith.constant 0 : i32
        %dma_wait3A_175 = arith.constant 0 : i32
        %dma_wait3A_176 = tpu.memref_slice %arg10[%dma_wait3A_174, %dma_wait3A_175] : memref<10240x128xf32, #tpu.memory_space<vmem_shared>> -> memref<10240x128xf32, #tpu.memory_space<vmem_shared>>
        tpu.wait_indirect_dma semaphore(%arg17 : memref<!tpu.dma_semaphore, #tpu.memory_space<semaphore_mem>>) src(%dma_wait3A_170 : memref<80x128xf32, #tpu.memory_space<vmem>>) dst(%dma_wait3A_176 : memref<10240x128xf32, #tpu.memory_space<vmem_shared>>)
        %add3A_177 = arith.constant 3 : i32
        %add3A_178 = arith.addi %add3A_142, %add3A_177 : i32
        %lt3A_179 = arith.constant 128 : i32
        %lt3A_180 = arith.cmpi slt, %add3A_178, %lt3A_179 : i32
        %convert_element_type3A_181 = arith.extui %lt3A_180 : i1 to i32
        %cond3A_182 = arith.constant 0 : i32
        %cond3A_183 = arith.cmpi ne, %convert_element_type3A_181, %cond3A_182 : i32
        scf.if %cond3A_183 {
          %add3A_184 = arith.constant 3 : i32
          %add3A_185 = arith.addi %add3A_142, %add3A_184 : i32
          %dma_start3A_186 = arith.constant 0 : i32
          %dma_start3A_187 = arith.constant 0 : i32
          %dma_start3A_188 = arith.constant 0 : i32
          %dma_start3A_189 = tpu.memref_slice %arg9[%dma_start3A_186, %dma_start3A_187, %dma_start3A_188] : memref<3x80x128xf32, #tpu.memory_space<vmem>> -> memref<1x80x128xf32, #tpu.memory_space<vmem>>
          %dma_start3A_190 = tpu.memref_squeeze %dma_start3A_189 : memref<1x80x128xf32, #tpu.memory_space<vmem>> -> memref<80x128xf32, #tpu.memory_space<vmem>>
          %dma_start3A_191 = arith.constant 0 : i32
          %dma_start3A_192 = tpu.memref_slice %arg7[%add3A_185, %dma_start3A_191] : memref<128x80xi32, #tpu.memory_space<vmem>> -> memref<1x80xi32, #tpu.memory_space<vmem>>
          %dma_start3A_193 = tpu.memref_squeeze %dma_start3A_192 : memref<1x80xi32, #tpu.memory_space<vmem>> -> memref<80xi32, #tpu.memory_space<vmem>>
          %dma_start3A_194 = arith.constant 0 : i32
          %dma_start3A_195 = arith.constant 0 : i32
          %dma_start3A_196 = tpu.memref_slice %arg4[%dma_start3A_194, %dma_start3A_195] : memref<10000x128xf32, #tpu.memory_space<hbm>> -> memref<10000x128xf32, #tpu.memory_space<hbm>>
          tpu.enqueue_indirect_dma source(%dma_start3A_196 : memref<10000x128xf32, #tpu.memory_space<hbm>>) target(%dma_start3A_190 : memref<80x128xf32, #tpu.memory_space<vmem>>) offsets(%dma_start3A_193 : memref<80xi32, #tpu.memory_space<vmem>>) semaphore(%arg11 : memref<!tpu.dma_semaphore, #tpu.memory_space<semaphore_mem>>)
          %mul3A_197 = arith.constant 128 : i32
          %mul3A_198 = arith.muli %add3A, %mul3A_197 : i32
          %add3A_199 = arith.addi %mul3A_198, %add3A_142 : i32
          %add3A_200 = arith.constant 3 : i32
          %add3A_201 = arith.addi %add3A_199, %add3A_200 : i32
          %dma_start3A_202 = arith.constant 0 : i32
          %dma_start3A_203 = arith.constant 0 : i32
          %dma_start3A_204 = tpu.memref_slice %arg8[%dma_start3A_202, %dma_start3A_203] : memref<3x80xi32, #tpu.memory_space<vmem>> -> memref<1x80xi32, #tpu.memory_space<vmem>>
          %dma_start3A_205 = tpu.memref_squeeze %dma_start3A_204 : memref<1x80xi32, #tpu.memory_space<vmem>> -> memref<80xi32, #tpu.memory_space<vmem>>
          %dma_start3A_206 = arith.constant 0 : i32
          %dma_start3A_207 = tpu.memref_slice %arg3[%add3A_201, %dma_start3A_206] : memref<4096x80xi32, #tpu.memory_space<hbm>> -> memref<1x80xi32, #tpu.memory_space<hbm>>
          %dma_start3A_208 = tpu.memref_squeeze %dma_start3A_207 : memref<1x80xi32, #tpu.memory_space<hbm>> -> memref<80xi32, #tpu.memory_space<hbm>>
          %dma_start3A_209 = arith.constant 0 : i32
          %dma_start3A_210 = tpu.memref_slice %arg8[%dma_start3A_202, %dma_start3A_209] : memref<3x80xi32, #tpu.memory_space<vmem>> -> memref<1x80xi32, #tpu.memory_space<vmem>>
          %dma_start3A_211 = tpu.memref_squeeze %dma_start3A_210 : memref<1x80xi32, #tpu.memory_space<vmem>> -> memref<80xi32, #tpu.memory_space<vmem>>
          %dma_start3A_212 = arith.constant 0 : i32
          %dma_start3A_213 = tpu.memref_slice %arg3[%add3A_201, %dma_start3A_212] : memref<4096x80xi32, #tpu.memory_space<hbm>> -> memref<1x80xi32, #tpu.memory_space<hbm>>
          %dma_start3A_214 = tpu.memref_squeeze %dma_start3A_213 : memref<1x80xi32, #tpu.memory_space<hbm>> -> memref<80xi32, #tpu.memory_space<hbm>>
          tpu.enqueue_dma source(%dma_start3A_214 : memref<80xi32, #tpu.memory_space<hbm>>) target(%dma_start3A_211 : memref<80xi32, #tpu.memory_space<vmem>>) target_semaphore(%arg14 : memref<!tpu.dma_semaphore, #tpu.memory_space<semaphore_mem>>)
        } else {
        }
      } else {
      }
      %mul3A_148 = arith.constant 3 : i32
      %mul3A_149 = arith.muli %mul3A_148, %scan3A_111 : i32
      %add3A_150 = arith.constant 1 : i32
      %add3A_151 = arith.addi %mul3A_149, %add3A_150 : i32
      %lt3A_152 = arith.constant 128 : i32
      %lt3A_153 = arith.cmpi slt, %add3A_151, %lt3A_152 : i32
      %convert_element_type3A_154 = arith.extui %lt3A_153 : i1 to i32
      %cond3A_155 = arith.constant 0 : i32
      %cond3A_156 = arith.cmpi ne, %convert_element_type3A_154, %cond3A_155 : i32
      scf.if %cond3A_156 {
        %dma_wait3A = arith.constant 1 : i32
        %dma_wait3A_166 = arith.constant 1 : i32
        %dma_wait3A_167 = arith.constant 0 : i32
        %dma_wait3A_168 = arith.constant 0 : i32
        %dma_wait3A_169 = tpu.memref_slice %arg9[%dma_wait3A, %dma_wait3A_167, %dma_wait3A_168] : memref<3x80x128xf32, #tpu.memory_space<vmem>> -> memref<1x80x128xf32, #tpu.memory_space<vmem>>
        %dma_wait3A_170 = tpu.memref_squeeze %dma_wait3A_169 : memref<1x80x128xf32, #tpu.memory_space<vmem>> -> memref<80x128xf32, #tpu.memory_space<vmem>>
        %dma_wait3A_171 = arith.constant 0 : i32
        %dma_wait3A_172 = tpu.memref_slice %arg8[%dma_wait3A_166, %dma_wait3A_171] : memref<3x80xi32, #tpu.memory_space<vmem>> -> memref<1x80xi32, #tpu.memory_space<vmem>>
        %dma_wait3A_173 = tpu.memref_squeeze %dma_wait3A_172 : memref<1x80xi32, #tpu.memory_space<vmem>> -> memref<80xi32, #tpu.memory_space<vmem>>
        %dma_wait3A_174 = arith.constant 0 : i32
        %dma_wait3A_175 = arith.constant 0 : i32
        %dma_wait3A_176 = tpu.memref_slice %arg10[%dma_wait3A_174, %dma_wait3A_175] : memref<10240x128xf32, #tpu.memory_space<vmem_shared>> -> memref<10240x128xf32, #tpu.memory_space<vmem_shared>>
        tpu.wait_indirect_dma semaphore(%arg18 : memref<!tpu.dma_semaphore, #tpu.memory_space<semaphore_mem>>) src(%dma_wait3A_170 : memref<80x128xf32, #tpu.memory_space<vmem>>) dst(%dma_wait3A_176 : memref<10240x128xf32, #tpu.memory_space<vmem_shared>>)
        %add3A_177 = arith.constant 3 : i32
        %add3A_178 = arith.addi %add3A_151, %add3A_177 : i32
        %lt3A_179 = arith.constant 128 : i32
        %lt3A_180 = arith.cmpi slt, %add3A_178, %lt3A_179 : i32
        %convert_element_type3A_181 = arith.extui %lt3A_180 : i1 to i32
        %cond3A_182 = arith.constant 0 : i32
        %cond3A_183 = arith.cmpi ne, %convert_element_type3A_181, %cond3A_182 : i32
        scf.if %cond3A_183 {
          %add3A_184 = arith.constant 3 : i32
          %add3A_185 = arith.addi %add3A_151, %add3A_184 : i32
          %dma_start3A_186 = arith.constant 1 : i32
          %dma_start3A_187 = arith.constant 0 : i32
          %dma_start3A_188 = arith.constant 0 : i32
          %dma_start3A_189 = tpu.memref_slice %arg9[%dma_start3A_186, %dma_start3A_187, %dma_start3A_188] : memref<3x80x128xf32, #tpu.memory_space<vmem>> -> memref<1x80x128xf32, #tpu.memory_space<vmem>>
          %dma_start3A_190 = tpu.memref_squeeze %dma_start3A_189 : memref<1x80x128xf32, #tpu.memory_space<vmem>> -> memref<80x128xf32, #tpu.memory_space<vmem>>
          %dma_start3A_191 = arith.constant 0 : i32
          %dma_start3A_192 = tpu.memref_slice %arg7[%add3A_185, %dma_start3A_191] : memref<128x80xi32, #tpu.memory_space<vmem>> -> memref<1x80xi32, #tpu.memory_space<vmem>>
          %dma_start3A_193 = tpu.memref_squeeze %dma_start3A_192 : memref<1x80xi32, #tpu.memory_space<vmem>> -> memref<80xi32, #tpu.memory_space<vmem>>
          %dma_start3A_194 = arith.constant 0 : i32
          %dma_start3A_195 = arith.constant 0 : i32
          %dma_start3A_196 = tpu.memref_slice %arg4[%dma_start3A_194, %dma_start3A_195] : memref<10000x128xf32, #tpu.memory_space<hbm>> -> memref<10000x128xf32, #tpu.memory_space<hbm>>
          tpu.enqueue_indirect_dma source(%dma_start3A_196 : memref<10000x128xf32, #tpu.memory_space<hbm>>) target(%dma_start3A_190 : memref<80x128xf32, #tpu.memory_space<vmem>>) offsets(%dma_start3A_193 : memref<80xi32, #tpu.memory_space<vmem>>) semaphore(%arg12 : memref<!tpu.dma_semaphore, #tpu.memory_space<semaphore_mem>>)
          %mul3A_197 = arith.constant 128 : i32
          %mul3A_198 = arith.muli %add3A, %mul3A_197 : i32
          %add3A_199 = arith.addi %mul3A_198, %add3A_151 : i32
          %add3A_200 = arith.constant 3 : i32
          %add3A_201 = arith.addi %add3A_199, %add3A_200 : i32
          %dma_start3A_202 = arith.constant 1 : i32
          %dma_start3A_203 = arith.constant 0 : i32
          %dma_start3A_204 = tpu.memref_slice %arg8[%dma_start3A_202, %dma_start3A_203] : memref<3x80xi32, #tpu.memory_space<vmem>> -> memref<1x80xi32, #tpu.memory_space<vmem>>
          %dma_start3A_205 = tpu.memref_squeeze %dma_start3A_204 : memref<1x80xi32, #tpu.memory_space<vmem>> -> memref<80xi32, #tpu.memory_space<vmem>>
          %dma_start3A_206 = arith.constant 0 : i32
          %dma_start3A_207 = tpu.memref_slice %arg3[%add3A_201, %dma_start3A_206] : memref<4096x80xi32, #tpu.memory_space<hbm>> -> memref<1x80xi32, #tpu.memory_space<hbm>>
          %dma_start3A_208 = tpu.memref_squeeze %dma_start3A_207 : memref<1x80xi32, #tpu.memory_space<hbm>> -> memref<80xi32, #tpu.memory_space<hbm>>
          %dma_start3A_209 = arith.constant 0 : i32
          %dma_start3A_210 = tpu.memref_slice %arg8[%dma_start3A_202, %dma_start3A_209] : memref<3x80xi32, #tpu.memory_space<vmem>> -> memref<1x80xi32, #tpu.memory_space<vmem>>
          %dma_start3A_211 = tpu.memref_squeeze %dma_start3A_210 : memref<1x80xi32, #tpu.memory_space<vmem>> -> memref<80xi32, #tpu.memory_space<vmem>>
          %dma_start3A_212 = arith.constant 0 : i32
          %dma_start3A_213 = tpu.memref_slice %arg3[%add3A_201, %dma_start3A_212] : memref<4096x80xi32, #tpu.memory_space<hbm>> -> memref<1x80xi32, #tpu.memory_space<hbm>>
          %dma_start3A_214 = tpu.memref_squeeze %dma_start3A_213 : memref<1x80xi32, #tpu.memory_space<hbm>> -> memref<80xi32, #tpu.memory_space<hbm>>
          tpu.enqueue_dma source(%dma_start3A_214 : memref<80xi32, #tpu.memory_space<hbm>>) target(%dma_start3A_211 : memref<80xi32, #tpu.memory_space<vmem>>) target_semaphore(%arg15 : memref<!tpu.dma_semaphore, #tpu.memory_space<semaphore_mem>>)
        } else {
        }
      } else {
      }
      %mul3A_157 = arith.constant 3 : i32
      %mul3A_158 = arith.muli %mul3A_157, %scan3A_111 : i32
      %add3A_159 = arith.constant 2 : i32
      %add3A_160 = arith.addi %mul3A_158, %add3A_159 : i32
      %lt3A_161 = arith.constant 128 : i32
      %lt3A_162 = arith.cmpi slt, %add3A_160, %lt3A_161 : i32
      %convert_element_type3A_163 = arith.extui %lt3A_162 : i1 to i32
      %cond3A_164 = arith.constant 0 : i32
      %cond3A_165 = arith.cmpi ne, %convert_element_type3A_163, %cond3A_164 : i32
      scf.if %cond3A_165 {
        %dma_wait3A = arith.constant 2 : i32
        %dma_wait3A_166 = arith.constant 2 : i32
        %dma_wait3A_167 = arith.constant 0 : i32
        %dma_wait3A_168 = arith.constant 0 : i32
        %dma_wait3A_169 = tpu.memref_slice %arg9[%dma_wait3A, %dma_wait3A_167, %dma_wait3A_168] : memref<3x80x128xf32, #tpu.memory_space<vmem>> -> memref<1x80x128xf32, #tpu.memory_space<vmem>>
        %dma_wait3A_170 = tpu.memref_squeeze %dma_wait3A_169 : memref<1x80x128xf32, #tpu.memory_space<vmem>> -> memref<80x128xf32, #tpu.memory_space<vmem>>
        %dma_wait3A_171 = arith.constant 0 : i32
        %dma_wait3A_172 = tpu.memref_slice %arg8[%dma_wait3A_166, %dma_wait3A_171] : memref<3x80xi32, #tpu.memory_space<vmem>> -> memref<1x80xi32, #tpu.memory_space<vmem>>
        %dma_wait3A_173 = tpu.memref_squeeze %dma_wait3A_172 : memref<1x80xi32, #tpu.memory_space<vmem>> -> memref<80xi32, #tpu.memory_space<vmem>>
        %dma_wait3A_174 = arith.constant 0 : i32
        %dma_wait3A_175 = arith.constant 0 : i32
        %dma_wait3A_176 = tpu.memref_slice %arg10[%dma_wait3A_174, %dma_wait3A_175] : memref<10240x128xf32, #tpu.memory_space<vmem_shared>> -> memref<10240x128xf32, #tpu.memory_space<vmem_shared>>
        tpu.wait_indirect_dma semaphore(%arg19 : memref<!tpu.dma_semaphore, #tpu.memory_space<semaphore_mem>>) src(%dma_wait3A_170 : memref<80x128xf32, #tpu.memory_space<vmem>>) dst(%dma_wait3A_176 : memref<10240x128xf32, #tpu.memory_space<vmem_shared>>)
        %add3A_177 = arith.constant 3 : i32
        %add3A_178 = arith.addi %add3A_160, %add3A_177 : i32
        %lt3A_179 = arith.constant 128 : i32
        %lt3A_180 = arith.cmpi slt, %add3A_178, %lt3A_179 : i32
        %convert_element_type3A_181 = arith.extui %lt3A_180 : i1 to i32
        %cond3A_182 = arith.constant 0 : i32
        %cond3A_183 = arith.cmpi ne, %convert_element_type3A_181, %cond3A_182 : i32
        scf.if %cond3A_183 {
          %add3A_184 = arith.constant 3 : i32
          %add3A_185 = arith.addi %add3A_160, %add3A_184 : i32
          %dma_start3A_186 = arith.constant 2 : i32
          %dma_start3A_187 = arith.constant 0 : i32
          %dma_start3A_188 = arith.constant 0 : i32
          %dma_start3A_189 = tpu.memref_slice %arg9[%dma_start3A_186, %dma_start3A_187, %dma_start3A_188] : memref<3x80x128xf32, #tpu.memory_space<vmem>> -> memref<1x80x128xf32, #tpu.memory_space<vmem>>
          %dma_start3A_190 = tpu.memref_squeeze %dma_start3A_189 : memref<1x80x128xf32, #tpu.memory_space<vmem>> -> memref<80x128xf32, #tpu.memory_space<vmem>>
          %dma_start3A_191 = arith.constant 0 : i32
          %dma_start3A_192 = tpu.memref_slice %arg7[%add3A_185, %dma_start3A_191] : memref<128x80xi32, #tpu.memory_space<vmem>> -> memref<1x80xi32, #tpu.memory_space<vmem>>
          %dma_start3A_193 = tpu.memref_squeeze %dma_start3A_192 : memref<1x80xi32, #tpu.memory_space<vmem>> -> memref<80xi32, #tpu.memory_space<vmem>>
          %dma_start3A_194 = arith.constant 0 : i32
          %dma_start3A_195 = arith.constant 0 : i32
          %dma_start3A_196 = tpu.memref_slice %arg4[%dma_start3A_194, %dma_start3A_195] : memref<10000x128xf32, #tpu.memory_space<hbm>> -> memref<10000x128xf32, #tpu.memory_space<hbm>>
          tpu.enqueue_indirect_dma source(%dma_start3A_196 : memref<10000x128xf32, #tpu.memory_space<hbm>>) target(%dma_start3A_190 : memref<80x128xf32, #tpu.memory_space<vmem>>) offsets(%dma_start3A_193 : memref<80xi32, #tpu.memory_space<vmem>>) semaphore(%arg13 : memref<!tpu.dma_semaphore, #tpu.memory_space<semaphore_mem>>)
          %mul3A_197 = arith.constant 128 : i32
          %mul3A_198 = arith.muli %add3A, %mul3A_197 : i32
          %add3A_199 = arith.addi %mul3A_198, %add3A_160 : i32
          %add3A_200 = arith.constant 3 : i32
          %add3A_201 = arith.addi %add3A_199, %add3A_200 : i32
          %dma_start3A_202 = arith.constant 2 : i32
          %dma_start3A_203 = arith.constant 0 : i32
          %dma_start3A_204 = tpu.memref_slice %arg8[%dma_start3A_202, %dma_start3A_203] : memref<3x80xi32, #tpu.memory_space<vmem>> -> memref<1x80xi32, #tpu.memory_space<vmem>>
          %dma_start3A_205 = tpu.memref_squeeze %dma_start3A_204 : memref<1x80xi32, #tpu.memory_space<vmem>> -> memref<80xi32, #tpu.memory_space<vmem>>
          %dma_start3A_206 = arith.constant 0 : i32
          %dma_start3A_207 = tpu.memref_slice %arg3[%add3A_201, %dma_start3A_206] : memref<4096x80xi32, #tpu.memory_space<hbm>> -> memref<1x80xi32, #tpu.memory_space<hbm>>
          %dma_start3A_208 = tpu.memref_squeeze %dma_start3A_207 : memref<1x80xi32, #tpu.memory_space<hbm>> -> memref<80xi32, #tpu.memory_space<hbm>>
          %dma_start3A_209 = arith.constant 0 : i32
          %dma_start3A_210 = tpu.memref_slice %arg8[%dma_start3A_202, %dma_start3A_209] : memref<3x80xi32, #tpu.memory_space<vmem>> -> memref<1x80xi32, #tpu.memory_space<vmem>>
          %dma_start3A_211 = tpu.memref_squeeze %dma_start3A_210 : memref<1x80xi32, #tpu.memory_space<vmem>> -> memref<80xi32, #tpu.memory_space<vmem>>
          %dma_start3A_212 = arith.constant 0 : i32
          %dma_start3A_213 = tpu.memref_slice %arg3[%add3A_201, %dma_start3A_212] : memref<4096x80xi32, #tpu.memory_space<hbm>> -> memref<1x80xi32, #tpu.memory_space<hbm>>
          %dma_start3A_214 = tpu.memref_squeeze %dma_start3A_213 : memref<1x80xi32, #tpu.memory_space<hbm>> -> memref<80xi32, #tpu.memory_space<hbm>>
          tpu.enqueue_dma source(%dma_start3A_214 : memref<80xi32, #tpu.memory_space<hbm>>) target(%dma_start3A_211 : memref<80xi32, #tpu.memory_space<vmem>>) target_semaphore(%arg16 : memref<!tpu.dma_semaphore, #tpu.memory_space<semaphore_mem>>)
        } else {
        }
      } else {
      }
    }
    %scan3A_99 = arith.constant 43 : i32
    %barrier3A_100 = arith.constant 0 : index
    tpu.barrier barrier_id(%barrier3A_100)
    %lt3A_101 = arith.constant 15 : i32
    %lt3A_102 = arith.cmpi slt, %arg1, %lt3A_101 : i32
    %convert_element_type3A_103 = arith.extui %lt3A_102 : i1 to i32
    %cond3A_104 = arith.constant 0 : i32
    %cond3A_105 = arith.cmpi ne, %convert_element_type3A_103, %cond3A_104 : i32
    scf.if %cond3A_105 {
      %mul3A_111 = arith.constant 624 : i32
      %mul3A_112 = arith.muli %arg1, %mul3A_111 : i32
      %mul3A_113 = arith.constant 10000 : i32
      %mul3A_114 = arith.muli %arg0, %mul3A_113 : i32
      %mul3A_115 = arith.constant 624 : i32
      %mul3A_116 = arith.muli %arg1, %mul3A_115 : i32
      %add3A_117 = arith.addi %mul3A_114, %mul3A_116 : i32
      "tpu.region"() ({
        %run_scoped3A = tpu.sem_alloc : memref<!tpu.dma_semaphore, #tpu.memory_space<semaphore_mem>>
        %dma_start3A_118 = arith.constant 0 : i32
        %dma_start3A_119 = tpu.memref_slice %arg6[%add3A_117, %dma_start3A_118] : memref<20000x128xf32, #tpu.memory_space<hbm>> -> memref<624x128xf32, #tpu.memory_space<hbm>>
        %dma_start3A_120 = arith.constant 0 : i32
        %dma_start3A_121 = tpu.memref_slice %arg10[%mul3A_112, %dma_start3A_120] : memref<10240x128xf32, #tpu.memory_space<vmem_shared>> -> memref<624x128xf32, #tpu.memory_space<vmem_shared>>
        tpu.enqueue_dma source(%dma_start3A_121 : memref<624x128xf32, #tpu.memory_space<vmem_shared>>) target(%dma_start3A_119 : memref<624x128xf32, #tpu.memory_space<hbm>>) target_semaphore(%run_scoped3A : memref<!tpu.dma_semaphore, #tpu.memory_space<semaphore_mem>>)
        %dma_wait3A = arith.constant 0 : i32
        %dma_wait3A_122 = tpu.memref_slice %arg6[%add3A_117, %dma_wait3A] : memref<20000x128xf32, #tpu.memory_space<hbm>> -> memref<624x128xf32, #tpu.memory_space<hbm>>
        %dma_wait3A_123 = arith.constant 0 : i32
        %dma_wait3A_124 = tpu.memref_slice %arg10[%mul3A_112, %dma_wait3A_123] : memref<10240x128xf32, #tpu.memory_space<vmem_shared>> -> memref<624x128xf32, #tpu.memory_space<vmem_shared>>
        tpu.wait_dma2 semaphore(%run_scoped3A : memref<!tpu.dma_semaphore, #tpu.memory_space<semaphore_mem>>) src(%dma_wait3A_124 : memref<624x128xf32, #tpu.memory_space<vmem_shared>>) dst(%dma_wait3A_122 : memref<624x128xf32, #tpu.memory_space<hbm>>)
        tpu.yield
      }) : () -> ()
    } else {
    }
    %eq3A_106 = arith.constant 15 : i32
    %eq3A_107 = arith.cmpi eq, %arg1, %eq3A_106 : i32
    %convert_element_type3A_108 = arith.extui %eq3A_107 : i1 to i32
    %cond3A_109 = arith.constant 0 : i32
    %cond3A_110 = arith.cmpi ne, %convert_element_type3A_108, %cond3A_109 : i32
    scf.if %cond3A_110 {
      %mul3A_111 = arith.constant 10000 : i32
      %mul3A_112 = arith.muli %arg0, %mul3A_111 : i32
      %add3A_113 = arith.constant 9360 : i32
      %add3A_114 = arith.addi %mul3A_112, %add3A_113 : i32
      "tpu.region"() ({
        %run_scoped3A = tpu.sem_alloc : memref<!tpu.dma_semaphore, #tpu.memory_space<semaphore_mem>>
        %dma_start3A_115 = arith.constant 0 : i32
        %dma_start3A_116 = tpu.memref_slice %arg6[%add3A_114, %dma_start3A_115] : memref<20000x128xf32, #tpu.memory_space<hbm>> -> memref<640x128xf32, #tpu.memory_space<hbm>>
        %dma_start3A_117 = arith.constant 9360 : i32
        %dma_start3A_118 = arith.constant 0 : i32
        %dma_start3A_119 = tpu.memref_slice %arg10[%dma_start3A_117, %dma_start3A_118] : memref<10240x128xf32, #tpu.memory_space<vmem_shared>> -> memref<640x128xf32, #tpu.memory_space<vmem_shared>>
        tpu.enqueue_dma source(%dma_start3A_119 : memref<640x128xf32, #tpu.memory_space<vmem_shared>>) target(%dma_start3A_116 : memref<640x128xf32, #tpu.memory_space<hbm>>) target_semaphore(%run_scoped3A : memref<!tpu.dma_semaphore, #tpu.memory_space<semaphore_mem>>)
        %dma_wait3A = arith.constant 0 : i32
        %dma_wait3A_120 = tpu.memref_slice %arg6[%add3A_114, %dma_wait3A] : memref<20000x128xf32, #tpu.memory_space<hbm>> -> memref<640x128xf32, #tpu.memory_space<hbm>>
        %dma_wait3A_121 = arith.constant 9360 : i32
        %dma_wait3A_122 = arith.constant 0 : i32
        %dma_wait3A_123 = tpu.memref_slice %arg10[%dma_wait3A_121, %dma_wait3A_122] : memref<10240x128xf32, #tpu.memory_space<vmem_shared>> -> memref<640x128xf32, #tpu.memory_space<vmem_shared>>
        tpu.wait_dma2 semaphore(%run_scoped3A : memref<!tpu.dma_semaphore, #tpu.memory_space<semaphore_mem>>) src(%dma_wait3A_123 : memref<640x128xf32, #tpu.memory_space<vmem_shared>>) dst(%dma_wait3A_120 : memref<640x128xf32, #tpu.memory_space<hbm>>)
        tpu.yield
      }) : () -> ()
    } else {
    }
    return
  }
}

module attributes {stable_mosaic.version = 14 : i64} {
  func.func @_matmul_body(%arg0: i32, %arg1: memref<1000x1xf32, #tpu.memory_space<vmem>>, %arg2: memref<1000x1xf32, #tpu.memory_space<vmem>>, %arg3: memref<1000x128xf32, #tpu.memory_space<vmem>>, %arg4: memref<128x128xf32, #tpu.memory_space<vmem>>, %arg5: memref<1000x128xf32, #tpu.memory_space<vmem>>) attributes {dimension_semantics = [#tpu.dimension_semantics<arbitrary>], iteration_bounds = array<i64: 10>, scalar_prefetch = 0 : i64, scratch_operands = 0 : i64, tpu.core_type = #tpu.core_type<tc>, window_params = [{transform_indices = @transform_0, window_bounds = array<i64: 1000, 1>}, {transform_indices = @transform_1, window_bounds = array<i64: 1000, 1>}, {transform_indices = @transform_2, window_bounds = array<i64: 1000, 128>}, {pipeline_mode = #tpu.pipeline_mode<synchronous>, transform_indices = @transform_3, window_bounds = array<i64: 128, 128>}, {transform_indices = @transform_4, window_bounds = array<i64: 1000, 128>}]} {
    %get3A = arith.constant 0 : index
    %get3A_0 = arith.constant 0 : index
    %get3A_1 = vector.load %arg1[%get3A, %get3A_0] : memref<1000x1xf32, #tpu.memory_space<vmem>>, vector<1000x1xf32>
    %get3A_2 = arith.constant 0 : index
    %get3A_3 = arith.constant 0 : index
    %get3A_4 = vector.load %arg2[%get3A_2, %get3A_3] : memref<1000x1xf32, #tpu.memory_space<vmem>>, vector<1000x1xf32>
    %add3A = arith.addf %get3A_1, %get3A_4 : vector<1000x1xf32>
    %add3A_5 = arith.constant 1.000000e+00 : f32
    %add3A_6 = vector.broadcast %add3A_5 : f32 to vector<1000x1xf32>
    %add3A_7 = arith.addf %add3A, %add3A_6 : vector<1000x1xf32>
    %rsqrt3A = math.rsqrt %add3A_7 : vector<1000x1xf32>
    %get3A_8 = arith.constant 0 : index
    %get3A_9 = arith.constant 0 : index
    %get3A_10 = vector.load %arg3[%get3A_8, %get3A_9] : memref<1000x128xf32, #tpu.memory_space<vmem>>, vector<1000x128xf32>
    %get3A_11 = arith.constant 0 : index
    %get3A_12 = arith.constant 0 : index
    %get3A_13 = vector.load %arg4[%get3A_11, %get3A_12] : memref<128x128xf32, #tpu.memory_space<vmem>>, vector<128x128xf32>
    %dot_general3A = arith.constant dense<0.000000e+00> : vector<1000x128xf32>
    %dot_general3A_14 = tpu.matmul %get3A_10, %get3A_13, %dot_general3A {dimension_numbers = #tpu.dot_dimension_numbers<[1], [0], [0], [1], [0, 0, 1, 1], [], []>, transpose_lhs_hint = false} : vector<1000x128xf32>, vector<128x128xf32>, vector<1000x128xf32> -> vector<1000x128xf32>
    %mul3A = vector.broadcast %rsqrt3A : vector<1000x1xf32> to vector<1000x128xf32>
    %mul3A_15 = arith.mulf %dot_general3A_14, %mul3A : vector<1000x128xf32>
    %swap3A = arith.constant 0 : index
    %swap3A_16 = arith.constant 0 : index
    %swap3A_17 = vector.load %arg5[%swap3A, %swap3A_16] : memref<1000x128xf32, #tpu.memory_space<vmem>>, vector<1000x128xf32>
    tpu.vector_store %arg5[%swap3A, %swap3A_16], %mul3A_15 {strides = array<i32>} : memref<1000x128xf32, #tpu.memory_space<vmem>>, vector<1000x128xf32>,
    return
  }
  func.func @transform_0(%arg0: i32) -> (i32, i32) {
    %c0_i32 = arith.constant 0 : i32
    %c0_i32_0 = arith.constant 0 : i32
    return %arg0, %c0_i32 : i32, i32
  }
  func.func @transform_1(%arg0: i32) -> (i32, i32) {
    %c0_i32 = arith.constant 0 : i32
    %c0_i32_0 = arith.constant 0 : i32
    return %arg0, %c0_i32 : i32, i32
  }
  func.func @transform_2(%arg0: i32) -> (i32, i32) {
    %c0_i32 = arith.constant 0 : i32
    %c0_i32_0 = arith.constant 0 : i32
    return %arg0, %c0_i32 : i32, i32
  }
  func.func @transform_3(%arg0: i32) -> (i32, i32) {
    %c0_i32 = arith.constant 0 : i32
    %c0_i32_0 = arith.constant 0 : i32
    %c0_i32_1 = arith.constant 0 : i32
    return %c0_i32, %c0_i32_0 : i32, i32
  }
  func.func @transform_4(%arg0: i32) -> (i32, i32) {
    %c0_i32 = arith.constant 0 : i32
    %c0_i32_0 = arith.constant 0 : i32
    return %arg0, %c0_i32 : i32, i32
  }
}

module attributes {stable_mosaic.version = 14 : i64} {
  func.func @_epilogue_body(%arg0: i32, %arg1: memref<1000x128xf32, #tpu.memory_space<vmem>>, %arg2: memref<1000x128xf32, #tpu.memory_space<vmem>>, %arg3: memref<1000x128xf32, #tpu.memory_space<vmem>>, %arg4: memref<1000x1xf32, #tpu.memory_space<vmem>>, %arg5: memref<1000x1xf32, #tpu.memory_space<vmem>>, %arg6: memref<1000x128xf32, #tpu.memory_space<vmem>>, %arg7: memref<1x128xf32, #tpu.memory_space<vmem>>, %arg8: memref<1x128xf32, #tpu.memory_space<vmem>>, %arg9: memref<1x128xf32, #tpu.memory_space<vmem>>, %arg10: memref<1000x128xf32, #tpu.memory_space<vmem>>) attributes {dimension_semantics = [#tpu.dimension_semantics<arbitrary>], iteration_bounds = array<i64: 10>, scalar_prefetch = 0 : i64, scratch_operands = 0 : i64, tpu.core_type = #tpu.core_type<tc>, window_params = [{transform_indices = @transform_0, window_bounds = array<i64: 1000, 128>}, {transform_indices = @transform_1, window_bounds = array<i64: 1000, 128>}, {transform_indices = @transform_2, window_bounds = array<i64: 1000, 128>}, {transform_indices = @transform_3, window_bounds = array<i64: 1000, 1>}, {transform_indices = @transform_4, window_bounds = array<i64: 1000, 1>}, {transform_indices = @transform_5, window_bounds = array<i64: 1000, 128>}, {pipeline_mode = #tpu.pipeline_mode<synchronous>, transform_indices = @transform_6, window_bounds = array<i64: 1, 128>}, {pipeline_mode = #tpu.pipeline_mode<synchronous>, transform_indices = @transform_7, window_bounds = array<i64: 1, 128>}, {pipeline_mode = #tpu.pipeline_mode<synchronous>, transform_indices = @transform_8, window_bounds = array<i64: 1, 128>}, {transform_indices = @transform_9, window_bounds = array<i64: 1000, 128>}]} {
    %get3A = arith.constant 0 : index
    %get3A_0 = arith.constant 0 : index
    %get3A_1 = vector.load %arg4[%get3A, %get3A_0] : memref<1000x1xf32, #tpu.memory_space<vmem>>, vector<1000x1xf32>
    %get3A_2 = arith.constant 0 : index
    %get3A_3 = arith.constant 0 : index
    %get3A_4 = vector.load %arg5[%get3A_2, %get3A_3] : memref<1000x1xf32, #tpu.memory_space<vmem>>, vector<1000x1xf32>
    %add3A = arith.addf %get3A_1, %get3A_4 : vector<1000x1xf32>
    %add3A_5 = arith.constant 1.000000e+00 : f32
    %add3A_6 = vector.broadcast %add3A_5 : f32 to vector<1000x1xf32>
    %add3A_7 = arith.addf %add3A, %add3A_6 : vector<1000x1xf32>
    %rsqrt3A = math.rsqrt %add3A_7 : vector<1000x1xf32>
    %get3A_8 = arith.constant 0 : index
    %get3A_9 = arith.constant 0 : index
    %get3A_10 = vector.load %arg1[%get3A_8, %get3A_9] : memref<1000x128xf32, #tpu.memory_space<vmem>>, vector<1000x128xf32>
    %get3A_11 = arith.constant 0 : index
    %get3A_12 = arith.constant 0 : index
    %get3A_13 = vector.load %arg2[%get3A_11, %get3A_12] : memref<1000x128xf32, #tpu.memory_space<vmem>>, vector<1000x128xf32>
    %add3A_14 = arith.addf %get3A_10, %get3A_13 : vector<1000x128xf32>
    %get3A_15 = arith.constant 0 : index
    %get3A_16 = arith.constant 0 : index
    %get3A_17 = vector.load %arg3[%get3A_15, %get3A_16] : memref<1000x128xf32, #tpu.memory_space<vmem>>, vector<1000x128xf32>
    %add3A_18 = arith.addf %add3A_14, %get3A_17 : vector<1000x128xf32>
    %mul3A = vector.broadcast %rsqrt3A : vector<1000x1xf32> to vector<1000x128xf32>
    %mul3A_19 = arith.mulf %add3A_18, %mul3A : vector<1000x128xf32>
    %get3A_20 = arith.constant 0 : index
    %get3A_21 = arith.constant 0 : index
    %get3A_22 = vector.load %arg7[%get3A_20, %get3A_21] : memref<1x128xf32, #tpu.memory_space<vmem>>, vector<1x128xf32>
    %add3A_23 = vector.broadcast %get3A_22 : vector<1x128xf32> to vector<1000x128xf32>
    %add3A_24 = arith.addf %mul3A_19, %add3A_23 : vector<1000x128xf32>
    %get3A_25 = arith.constant 0 : index
    %get3A_26 = arith.constant 0 : index
    %get3A_27 = vector.load %arg8[%get3A_25, %get3A_26] : memref<1x128xf32, #tpu.memory_space<vmem>>, vector<1x128xf32>
    %mul3A_28 = arith.constant 0.999994993 : f32
    %mul3A_29 = vector.broadcast %mul3A_28 : f32 to vector<1x128xf32>
    %mul3A_30 = arith.mulf %get3A_27, %mul3A_29 : vector<1x128xf32>
    %mul3A_31 = vector.broadcast %mul3A_30 : vector<1x128xf32> to vector<1000x128xf32>
    %mul3A_32 = arith.mulf %add3A_24, %mul3A_31 : vector<1000x128xf32>
    %get3A_33 = arith.constant 0 : index
    %get3A_34 = arith.constant 0 : index
    %get3A_35 = vector.load %arg9[%get3A_33, %get3A_34] : memref<1x128xf32, #tpu.memory_space<vmem>>, vector<1x128xf32>
    %add3A_36 = vector.broadcast %get3A_35 : vector<1x128xf32> to vector<1000x128xf32>
    %add3A_37 = arith.addf %mul3A_32, %add3A_36 : vector<1000x128xf32>
    %max3A = arith.constant 0.000000e+00 : f32
    %max3A_38 = vector.broadcast %max3A : f32 to vector<1000x128xf32>
    %max3A_39 = arith.maximumf %add3A_37, %max3A_38 : vector<1000x128xf32>
    %get3A_40 = arith.constant 0 : index
    %get3A_41 = arith.constant 0 : index
    %get3A_42 = vector.load %arg6[%get3A_40, %get3A_41] : memref<1000x128xf32, #tpu.memory_space<vmem>>, vector<1000x128xf32>
    %add3A_43 = arith.addf %max3A_39, %get3A_42 : vector<1000x128xf32>
    %swap3A = arith.constant 0 : index
    %swap3A_44 = arith.constant 0 : index
    %swap3A_45 = vector.load %arg10[%swap3A, %swap3A_44] : memref<1000x128xf32, #tpu.memory_space<vmem>>, vector<1000x128xf32>
    tpu.vector_store %arg10[%swap3A, %swap3A_44], %add3A_43 {strides = array<i32>} : memref<1000x128xf32, #tpu.memory_space<vmem>>, vector<1000x128xf32>,
    return
  }
  func.func @transform_0(%arg0: i32) -> (i32, i32) {
    %c0_i32 = arith.constant 0 : i32
    %c0_i32_0 = arith.constant 0 : i32
    return %arg0, %c0_i32 : i32, i32
  }
  func.func @transform_1(%arg0: i32) -> (i32, i32) {
    %add3A = arith.constant 10 : i32
    %add3A_0 = arith.addi %arg0, %add3A : i32
    %c0_i32 = arith.constant 0 : i32
    %c0_i32_1 = arith.constant 0 : i32
    return %add3A_0, %c0_i32 : i32, i32
  }
  func.func @transform_2(%arg0: i32) -> (i32, i32) {
    %c0_i32 = arith.constant 0 : i32
    %c0_i32_0 = arith.constant 0 : i32
    return %arg0, %c0_i32 : i32, i32
  }
  func.func @transform_3(%arg0: i32) -> (i32, i32) {
    %c0_i32 = arith.constant 0 : i32
    %c0_i32_0 = arith.constant 0 : i32
    return %arg0, %c0_i32 : i32, i32
  }
  func.func @transform_4(%arg0: i32) -> (i32, i32) {
    %c0_i32 = arith.constant 0 : i32
    %c0_i32_0 = arith.constant 0 : i32
    return %arg0, %c0_i32 : i32, i32
  }
  func.func @transform_5(%arg0: i32) -> (i32, i32) {
    %c0_i32 = arith.constant 0 : i32
    %c0_i32_0 = arith.constant 0 : i32
    return %arg0, %c0_i32 : i32, i32
  }
  func.func @transform_6(%arg0: i32) -> (i32, i32) {
    %c0_i32 = arith.constant 0 : i32
    %c0_i32_0 = arith.constant 0 : i32
    %c0_i32_1 = arith.constant 0 : i32
    return %c0_i32, %c0_i32_0 : i32, i32
  }
  func.func @transform_7(%arg0: i32) -> (i32, i32) {
    %c0_i32 = arith.constant 0 : i32
    %c0_i32_0 = arith.constant 0 : i32
    %c0_i32_1 = arith.constant 0 : i32
    return %c0_i32, %c0_i32_0 : i32, i32
  }
  func.func @transform_8(%arg0: i32) -> (i32, i32) {
    %c0_i32 = arith.constant 0 : i32
    %c0_i32_0 = arith.constant 0 : i32
    %c0_i32_1 = arith.constant 0 : i32
    return %c0_i32, %c0_i32_0 : i32, i32
  }
  func.func @transform_9(%arg0: i32) -> (i32, i32) {
    %c0_i32 = arith.constant 0 : i32
    %c0_i32_0 = arith.constant 0 : i32
    return %arg0, %c0_i32 : i32, i32
  }
}

</mosaic_0001>

<sc_bundles>
// kernel: kernel.6.cloned.1.call-start
scs
__scs_entry_jumppad:
0x0: {  	(pc) =	sbr.rel $0x88, $3  }
0x1: {  	(tag) =	ssettag $0x0;
	lr =	simm.s32 $0x1  }
0x2: {  	[smem:$0x3F9B] =	sst lr;
	_ =	strace $0xD0000000  }
0x3: {  	_ = 	snop  }
0x4: {  	_ = 	snop  }
0x5: {  	_ = 	snop  }
0x6: {  	_ = 	snop  }
0x7: {  	_ = 	snop  }
__scs_overlays_trampoline_lowered:
0x8: {  	[smem:$0x3FAA] =	sst s0  }
0x9: {  	[smem:$0x3FAB] =	sst s1  }
0xa: {  	[smem:$0x3FAC] =	sst s2  }
0xb: {  	[smem:$0x3FAD] =	sst s3  }
0xc: {  	[smem:$0x3FAE] =	sst s4  }
0xd: {  	[smem:$0x3FAF] =	sst s5  }
0xe: {  	[smem:$0x3FB0] =	sst s6  }
0xf: {  	[smem:$0x3FB1] =	sst s7  }
0x10: {  	[smem:$0x3FB2] =	sst s8  }
0x11: {  	[smem:$0x3FB3] =	sst s9;
	s0 =	simm.s32 @!p0 $0x0  }
0x12: {  	s1 =	sld [smem:$0x3F99];
	s0 =	simm.s32 @p0 $0x1  }
0x13: {  	[smem:$0x3FB4] =	sst s0;
	s0 =	simm.s32 @!p1 $0x0  }
0x14: {  	s2 =	sld [smem:$0x3F98];
	s0 =	simm.s32 @p1 $0x1  }
0x15: {  	[smem:$0x3FB5] =	sst s0;
	s0 =	simm.s32 @!p2 $0x0  }
0x16: {  	s3 =	sld [smem:$0x3FDB];
	s0 =	simm.s32 @p2 $0x1  }
0x17: {  	s4 =	simm.s32 $0x1BF5;
	[smem:$0x3FB7] =	sst s0  }
0x18: {  	s0 =	sld [smem:$0x3F9A];
	_ =	swait.ge [sflag:s4], $0x0  }
0x19: {  	s7 =	sld [smem:$0x3F9B]  }
0x1a: {  	s8 =	sadd.s32 $0xFFFFE003, lr  }
0x1b: {  	s9 =	sadd.s32 $0xFFFFFEF7, lr;
	s5 =	simm.s32 $0xFFFFFFFF;
	p2 =	slt.u32 s8, $0xFFFFF086  }
0x1c: {  	p1 =	slt.u32 s9, $0xF7A;
	s5 =	simm.s32 @!p2 $0x0  }
0x1d: {  	s5 =	simm.s32 @p1 $0x1;
	p0 =	seq.s32 s7, s2  }
0x1e: {  	s7 =	smul.u32 @!p0 $0xF7A, s2;
	p2 =	seq.s32 @!p0 s5, $0x0  }
0x1f: {  	s9 =	smul.u32 $0xF7A, s1;
	s8 =	simm.s32 @!p0 $0x1BF5;
	p2 =	por !p2, p0  }
0x20: {  	[sflag:s8] =	ssyncset.s32 @!p0 $0xFFFFF086;
	s6 =	sadd.s32 @!p0 s3, s7;
	s7 =	simm.s32 @!p0 $0x108  }
0x21: {  	s3 =	sadd.s32 s3, s9;
	s6 =	sadd.s32 @!p0 $0x88, s6;
	s7 =	simm.s32 @p2 $0x1082  }
0x22: {  	[simem:s7], [sflag:s8] =	dma.local @!p0 [hbm:s6], $0xF7A  }
0x23: {  	s9 =	sor.u32 $0xD0000000, s2;
	s6 =	simm.s32 $0x108;
	_ =	swait.ge @!p0 [sflag:s8], $0x0  }
0x24: {  	s3 =	sadd.s32 $0x88, s3;
	s6 =	simm.s32 @!p1 $0x1082;
	[sflag:s4] =	ssyncset.s32 $0xFFFFF086  }
0x25: {  	[simem:s6], [sflag:s4] =	dma.local [hbm:s3], $0xF7A  }
0x26: {  	[smem:$0x3F9B] =	sst s1;
	(tag) =	ssettag s2;
	_ =	strace s9  }
0x27: {  	s1 =	sld [smem:$0x3FAB]  }
0x28: {  	s2 =	sld [smem:$0x3FAC]  }
0x29: {  	s4 =	sld [smem:$0x3FAE]  }
0x2a: {  	p0 =	seq.s32 s5, $0x0;
	s5 =	sld [smem:$0x3FAF]  }
0x2b: {  	s6 =	sld [smem:$0x3FB0]  }
0x2c: {  	s7 =	sld [smem:$0x3FB1]  }
0x2d: {  	s3 =	simm.s32 $0x108;
	s8 =	sld [smem:$0x3FB2]  }
0x2e: {  	s3 =	simm.s32 @!p0 $0x1082;
	s9 =	sld [smem:$0x3FB3]  }
0x2f: {  	lr =	sadd.s32 s0, s3;
	s0 =	sld [smem:$0x3FAA]  }
0x30: {  	s3 =	sld [smem:$0x3FAD]  }
0x31: {  	[smem:$0x3FB6] =	sst s10  }
0x32: {  	s10 =	sld [smem:$0x3FB4];
	_ =	sdelay $0x3  }
0x33: {  	p0 =	seq.s32 s10, $0x1;
	s10 =	sld [smem:$0x3FB6];
	_ =	sdelay $0x3  }
0x34: {  	[smem:$0x3FB6] =	sst s10  }
0x35: {  	s10 =	sld [smem:$0x3FB5];
	_ =	sdelay $0x3  }
0x36: {  	p1 =	seq.s32 s10, $0x1;
	s10 =	sld [smem:$0x3FB6];
	_ =	sdelay $0x3  }
0x37: {  	[smem:$0x3FB6] =	sst s10  }
0x38: {  	s10 =	sld [smem:$0x3FB7]  }
0x39: {  	_ = 	snop;
	(pc) =	sbr.ind lr, $3  }
0x3a: {  	_ = 	snop  }
0x3b: {  	_ = 	snop  }
0x3c: {  	p2 =	seq.s32 s10, $0x1;
	s10 =	sld [smem:$0x3FB6]  }
0x3d: {  	_ =	shalt  }
0x3e: {  	_ =	shalt  }
0x3f: {  	_ =	shalt  }
0x40: {  	_ =	shalt  }
0x41: {  	_ =	shalt  }
0x42: {  	_ =	shalt  }
0x43: {  	_ =	shalt  }
0x44: {  	_ =	shalt  }
0x45: {  	_ =	shalt  }
0x46: {  	_ =	shalt  }
0x47: {  	_ =	shalt  }
0x48: {  	_ =	shalt  }
0x49: {  	_ =	shalt  }
0x4a: {  	_ =	shalt  }
0x4b: {  	_ =	shalt  }
0x4c: {  	_ =	shalt  }
0x4d: {  	_ =	shalt  }
0x4e: {  	_ =	shalt  }
0x4f: {  	_ =	shalt  }
0x50: {  	_ =	shalt  }
0x51: {  	_ =	shalt  }
0x52: {  	_ =	shalt  }
0x53: {  	_ =	shalt  }
0x54: {  	_ =	shalt  }
0x55: {  	_ =	shalt  }
0x56: {  	_ =	shalt  }
0x57: {  	_ =	shalt  }
0x58: {  	_ =	shalt  }
0x59: {  	_ =	shalt  }
0x5a: {  	_ =	shalt  }
0x5b: {  	_ =	shalt  }
0x5c: {  	_ =	shalt  }
0x5d: {  	_ =	shalt  }
0x5e: {  	_ =	shalt  }
0x5f: {  	_ =	shalt  }
0x60: {  	_ =	shalt  }
0x61: {  	_ =	shalt  }
0x62: {  	_ =	shalt  }
0x63: {  	_ =	shalt  }
0x64: {  	_ =	shalt  }
0x65: {  	_ =	shalt  }
0x66: {  	_ =	shalt  }
0x67: {  	_ =	shalt  }
0x68: {  	_ =	shalt  }
0x69: {  	_ =	shalt  }
0x6a: {  	_ =	shalt  }
0x6b: {  	_ =	shalt  }
0x6c: {  	_ =	shalt  }
0x6d: {  	_ =	shalt  }
0x6e: {  	_ =	shalt  }
0x6f: {  	_ =	shalt  }
0x70: {  	_ =	shalt  }
0x71: {  	_ =	shalt  }
0x72: {  	_ =	shalt  }
0x73: {  	_ =	shalt  }
0x74: {  	_ =	shalt  }
0x75: {  	_ =	shalt  }
0x76: {  	_ =	shalt  }
0x77: {  	_ =	shalt  }
0x78: {  	_ =	shalt  }
0x79: {  	_ =	shalt  }
0x7a: {  	_ =	shalt  }
0x7b: {  	_ =	shalt  }
0x7c: {  	_ =	shalt  }
0x7d: {  	_ =	shalt  }
0x7e: {  	_ =	shalt  }
0x7f: {  	_ =	shalt  }
0x80: {  	_ =	shalt  }
0x81: {  	_ =	shalt  }
0x82: {  	_ =	shalt  }
0x83: {  	_ =	shalt  }
0x84: {  	_ =	shalt  }
0x85: {  	_ =	shalt  }
0x86: {  	_ =	shalt  }
0x87: {  	_ =	shalt  }
.Lfunc_end0:
.L_simem_size_0:
called_computation_lowered:
.L_overlay_start_0:
0x88: {  	s2 =	sld [smem:$0x3FD9]  }
0x89: {  	s3 =	sld [smem:$0x3FFE];
	_ =	sdelay $0x1  }
0x8a: {  	s1 =	srdreg.scid  }
0x8b: {  	s0 =	sand.u32 $0x1, s1  }
0x8c: {  	s17 =	sshll.u32 s0, $0xA;
	s2 =	sadd.s32 s3, s2  }
0x8d: {  	s2 =	sadd.s32 s2, s17  }
0x8e: {  	[smem:$0x3FC2] =	sst s2  }
0x8f: {  	_ = 	snop  }
0x90: {  	s2 =	sld [smem:$0x3FD0];
	(tm) =	ssettm $0x1  }
0x91: {  	s18 =	sld [smem:$0x3FFB];
	_ =	sdelay $0x3  }
0x92: {  	_ =	strace s18  }
0x93: {  	s3 =	sld [smem:$0x3FFC];
	_ =	sdelay $0x3  }
0x94: {  	_ =	strace s3  }
0x95: {  	s3 =	sld [smem:$0x3FFD];
	_ =	sdelay $0x3  }
0x96: {  	_ =	strace s3  }
0x97: {  	_ =	strace $0x8FFFFFFF  }
0x98: {  	s19 =	sld [smem:$0x3FDB];
	_ =	sdelay $0x1  }
0x99: {  	s4 =	simm.s32 $_scs_section_size  }
0x9a: {  	s5 =	simm.s32 $_size__tile_overlayer_lowered;
	s6 =	simm.s32 $_tile_overlayer_lowered  }
0x9b: {  	s22 =	simm.s32 $0x1BFF;
	s21 =	sshll.u32 s6, $0x1;
	s3 =	sadd.s32 s4, s19  }
0x9c: {  	s7 =	simm.s32 $0x0;
	s20 =	sshll.u32 s5, $0x1;
	s5 =	sadd.s32 s21, s3  }
0x9d: {  	[timem:s7], [sflag:s22] =	dma.local [hbm:s5], s20  }
0x9e: {  	_ =	swait.ge [sflag:s22], s20  }
0x9f: {  	s4 =	ssub.s32 $0x0, s20;
	[sflag:s22] =	ssyncset.done $0x0  }
0xa0: {  	[sflag:s22] =	ssyncadd.s32 s4;
	_ =	sdelay $0x1  }
0xa1: {  	s23 =	simm.s32 $0x1B8B  }
0xa2: {  	_ =	swait.ge [sflag:s23], $0x1  }
0xa3: {  	[sflag:s23] =	ssyncset.done $0x0  }
0xa4: {  	s25 =	simm.s32 $0x1B8E;
	s24 =	sld [smem:$0x3FFE];
	[sflag:s23] =	ssyncadd.s32 $0xFFFFFFFF  }
0xa5: {  	s26 =	simm.s32 $execute0_lowered;
	[smem:$0x3FD2] =	sst s25  }
0xa6: {  	s5 =	sshll.u32 s26, $0x1;
	_ =	strace $0x80000046;
	[dreg:$0x1] =	wrdreg $0xFFFFFFFF  }
0xa7: {  	s28 =	simm.s32 $_size_execute0_lowered;
	s3 =	sadd.s32 s3, s5;
	[dreg:$0x0] =	wrdreg $0x0  }
0xa8: {  	s5 =	sshll.u32 s28, $0x1;
	[dreg:$0x2] =	wrdreg s3  }
0xa9: {  	[dreg:$0x3] =	wrdreg s5  }
0xaa: {  	[dreg:$0x4] =	wrdreg $0xC0  }
0xab: {  	_ =	task [dreg:s7], $0x5FFFF  }
0xac: {  	[dreg:$0x1] =	wrdreg $0xFFFFFFFF  }
0xad: {  	[dreg:$0x0] =	wrdreg $0x60  }
0xae: {  	[dreg:$0x2] =	wrdreg s24  }
0xaf: {  	[dreg:$0x3] =	wrdreg s2  }
0xb0: {  	[dreg:$0x4] =	wrdreg $0x68800  }
0xb1: {  	[dreg:$0x5] =	wrdreg $0x9  }
0xb2: {  	_ =	task.clear_ibuf [dreg:s7], $0x6FFFF;
	_ =	strace $0x90000046  }
0xb3: {  	s29 =	simm.s32 $0x9;
	_ =	strace $0x80000048  }
0xb4: {  	_ =	swait.ge [sflag:s29], $0x1  }
0xb5: {  	[sflag:s29] =	ssyncadd.s32 $0xFFFFFFFF  }
0xb6: {  	_ =	strace $0x90000048  }
0xb7: {  	_ =	sfence  }
0xb8: {  	s30 =	sld [smem:$0x0];
	_ =	sdelay $0x2  }
0xb9: {  	s31 =	sshll.u32 s1, $0xD;
	s1 =	sshrl.u32 s1, $0x2  }
0xba: {  	s3 =	sand.u32 $0x4000, s31;
	s1 =	sadd.s32 s1, s30  }
0xbb: {  	s0 =	sor.u32 s3, s0;
	s1 =	sshll.u32 s1, $0x11  }
0xbc: {  	s0 =	sor.u32 s1, s0  }
0xbd: {  	s0 =	sadd.s32 $0x8F2B, s0  }
0xbe: {  	[sflag:s0] =	ssyncadd.remote.s32 $0x1  }
0xbf: {  	_ =	sfence.sel $0xFFFF  }
0xc0: {  	[dreg:$0x0] =	wrdreg $0xFFFFFFFF;
	(pc) =	sbr.abs _section_cstart, $3  }
0xc1: {  	[dreg:$0x1] =	wrdreg $0xFFFFFFFF  }
0xc2: {  	_ =	task.clear_ibuf [dreg:s7], $0x2FFFF;
	_ =	strace $0x9FFFFFFF  }
0xc3: {  	(tm) =	ssettm $0x7FFFFFFF  }
tec
execute0_lowered:
.L_overlay_start_1:
0x0: {  	(tag) =	ssettag $0x1  }
0x1: {  	s3 =	rddreg [dreg:$0x0]  }
0x2: {  	s5 =	rddreg [dreg:$0x1]  }
0x3: {  	s1 =	rddreg [dreg:$0x2]  }
0x4: {  	s0 =	rddreg [dreg:$0x3]  }
0x5: {  	s2 =	simm.s32 $0x0;
	s7 =	stileid.u32;
	s4 =	srdreg.scid  }
0x6: {  	[smem:$0x7FF] =	sst s2;
	s6 =	sshll.u32 s7, $0xB;
	s4 =	sand.u32 $0x1, s4  }
0x7: {  	p0 =	sne.s32 s7, $0x0;
	s7 =	simm.s32 $0x2;
	_ =	strace $0x80000047  }
0x8: {  	s6 =	sadd.s32 s6, s3;
	s8 =	ssub.s32 $0x2, s4;
	s10 =	sshll.u32 s4, $0xF  }
0x9: {  	s11 =	smul.u32 $0x4E2, s4;
	s3 =	sadd.s32 $0x11E00, s3;
	s9 =	sshrl.u32 s8, $0x1  }
0xa: {  	s31 =	sadd.s32 s10, s6;
	s10 =	simm.s32 $0x1;
	s8 =	ssub.s32 s8, s9  }
0xb: {  	s4 =	sadd.s32 $0x1E00, s31;
	s5 =	sadd.s32 s5, s11;
	s9 =	simm.s32 $0x4000  }
0xc: {  	v0 =	vimm.f32 $1.000000000e+00;
	s11 =	simm.s32 $0x0;
	s6 =	smax.u32 s8, $0x1;
	s8 =	simm.s32 $0x50  }
.LBB2_1:
0xd: {  	[tilespmem:s2], [sflag:$0x2] =	stream.linear.gather [hbm4b:s4+s2], $0x4000, $0x38;
	[tilespmem:$0x6B00] =	vst v63  }
0xe: {  	_ =	swait.ge [sflag:s7], $0x4000  }
0xf: {  	[sflag:s7] =	ssyncset.done $0x0  }
0x10: {  	[sflag:s7] =	ssyncadd.s32 $0xFFFFC000  }
0x11: {  	[tilespmem:$0x4000] =	vst v0  }
0x12: {  	[tilespmem:$0x4010] =	vst v0  }
0x13: {  	[tilespmem:$0x4020] =	vst v0  }
0x14: {  	[tilespmem:$0x4030] =	vst v0  }
0x15: {  	s12 =	simm.s32 @!p0 $0x0;
	s13 =	simm.s32 @!p0 $0x4080;
	[tilespmem:$0x4040] =	vst v0  }
0x16: {  	[tilespmem:s13], [sflag:$0x2] =	stream.linear.gather @!p0 [hbm4b:s3+s12], $0x2800, $0x38;
	[tilespmem:$0x6B00] =	vst v63  }
0x17: {  	s12 =	simm.s32 @!p0 $0x2  }
0x18: {  	_ =	swait.ge @!p0 [sflag:s12], $0x2800  }
0x19: {  	[sflag:s12] =	ssyncset.done @!p0 $0x0  }
0x1a: {  	[sflag:s12] =	ssyncadd.s32 @!p0 $0xFFFFD800  }
0x1b: {  	[spmem:s1] =	stream.linear.scatter @!p0 [tilespmem:s13], [sflag:$0x2], $0x2800, $0x38;
	[tilespmem:$0x6B00] =	vst v63  }
0x1c: {  	_ =	swait.ge @!p0 [sflag:s12], $0x2800  }
0x1d: {  	[sflag:s12] =	ssyncset.done @!p0 $0x0  }
0x1e: {  	p1 =	por $0x1, $0x1;
	[sflag:s12] =	ssyncadd.s32 @!p0 $0xFFFFD800  }
0x1f: {  	s13 =	simm.s32 @!p1 $0x1;
	[bflag:$0x0] =	sbarrier.arrive $0xFFFF  }
0x20: {  	_ =	swait.ge @!p1 [sflag:s13], $0x50  }
0x21: {  	s14 =	simm.s32 $0x0;
	[sflag:s13] =	ssyncset.done @!p1 $0x0  }
0x22: {  	s12 =	simm.s32 $0x1;
	[sflag:s13] =	ssyncadd.s32 @!p1 $0xFFFFFFB0;
	s13 =	simm.s32 $0x80  }
.LBB2_2:
0x23: {  	[spmem:s1] =	stream.indirect.scatter.add.f32 [tilespmem:s9], [sflag:$0x1], $0x1, s14, s8, $0xb8;
	[tilespmem:$0x6B00] =	vst v63  }
0x24: {  	p1 =	slt.u32 s12, $0x10;
	s12 =	sadd.s32 $0x1, s12  }
0x25: {  	p2 =	sne.s32 s12, $0x80  }
.Ltmp0:
0x26: {  	(pc) =	sbr.rel @p2 .LBB2_2-.Ltmp0, $4  }
0x27: {  	s14 =	smov.u32 s13;
	s15 =	simm.s32 @!p1 $0x1  }
0x28: {  	_ =	swait.ge @!p1 [sflag:s15], $0x50  }
0x29: {  	[sflag:s15] =	ssyncset.done @!p1 $0x0  }
0x2a: {  	s13 =	sadd.s32 $0x80, s13;
	[sflag:s15] =	ssyncadd.s32 @!p1 $0xFFFFFFB0  }
0x2b: {  	[spmem:s1] =	stream.indirect.scatter.add.f32 [tilespmem:s9], [sflag:$0x1], $0x1, s14, s8, $0xb8;
	[tilespmem:$0x6B00] =	vst v63  }
0x2c: {  	_ =	swait.ge [sflag:s10], $0x50  }
0x2d: {  	[sflag:s10] =	ssyncset.done $0x0  }
0x2e: {  	[sflag:s10] =	ssyncadd.s32 $0xFFFFFFB0  }
0x2f: {  	_ =	swait.ge [sflag:s10], $0x50  }
0x30: {  	[sflag:s10] =	ssyncset.done $0x0  }
0x31: {  	[sflag:s10] =	ssyncadd.s32 $0xFFFFFFB0  }
0x32: {  	_ =	swait.ge [sflag:s10], $0x50  }
0x33: {  	[sflag:s10] =	ssyncset.done $0x0  }
0x34: {  	[sflag:s10] =	ssyncadd.s32 $0xFFFFFFB0  }
0x35: {  	_ =	swait.ge [sflag:s10], $0x50  }
0x36: {  	[sflag:s10] =	ssyncset.done $0x0  }
0x37: {  	[sflag:s10] =	ssyncadd.s32 $0xFFFFFFB0  }
0x38: {  	_ =	swait.ge [sflag:s10], $0x50  }
0x39: {  	[sflag:s10] =	ssyncset.done $0x0  }
0x3a: {  	[sflag:s10] =	ssyncadd.s32 $0xFFFFFFB0  }
0x3b: {  	_ =	swait.ge [sflag:s10], $0x50  }
0x3c: {  	[sflag:s10] =	ssyncset.done $0x0  }
0x3d: {  	[sflag:s10] =	ssyncadd.s32 $0xFFFFFFB0  }
0x3e: {  	_ =	swait.ge [sflag:s10], $0x50  }
0x3f: {  	[sflag:s10] =	ssyncset.done $0x0  }
0x40: {  	[sflag:s10] =	ssyncadd.s32 $0xFFFFFFB0  }
0x41: {  	_ =	swait.ge [sflag:s10], $0x50  }
0x42: {  	[sflag:s10] =	ssyncset.done $0x0  }
0x43: {  	[sflag:s10] =	ssyncadd.s32 $0xFFFFFFB0  }
0x44: {  	_ =	swait.ge [sflag:s10], $0x50  }
0x45: {  	[sflag:s10] =	ssyncset.done $0x0  }
0x46: {  	[sflag:s10] =	ssyncadd.s32 $0xFFFFFFB0  }
0x47: {  	_ =	swait.ge [sflag:s10], $0x50  }
0x48: {  	[sflag:s10] =	ssyncset.done $0x0  }
0x49: {  	[sflag:s10] =	ssyncadd.s32 $0xFFFFFFB0  }
0x4a: {  	_ =	swait.ge [sflag:s10], $0x50  }
0x4b: {  	[sflag:s10] =	ssyncset.done $0x0  }
0x4c: {  	[sflag:s10] =	ssyncadd.s32 $0xFFFFFFB0  }
0x4d: {  	_ =	swait.ge [sflag:s10], $0x50  }
0x4e: {  	[sflag:s10] =	ssyncset.done $0x0  }
0x4f: {  	[sflag:s10] =	ssyncadd.s32 $0xFFFFFFB0  }
0x50: {  	_ =	swait.ge [sflag:s10], $0x50  }
0x51: {  	[sflag:s10] =	ssyncset.done $0x0  }
0x52: {  	[sflag:s10] =	ssyncadd.s32 $0xFFFFFFB0  }
0x53: {  	_ =	swait.ge [sflag:s10], $0x50  }
0x54: {  	[sflag:s10] =	ssyncset.done $0x0  }
0x55: {  	[sflag:s10] =	ssyncadd.s32 $0xFFFFFFB0  }
0x56: {  	_ =	swait.ge [sflag:s10], $0x50  }
0x57: {  	[sflag:s10] =	ssyncset.done $0x0  }
0x58: {  	[sflag:s10] =	ssyncadd.s32 $0xFFFFFFB0  }
0x59: {  	_ =	swait.ge [sflag:s10], $0x50  }
0x5a: {  	[sflag:s10] =	ssyncset.done $0x0  }
0x5b: {  	[sflag:s10] =	ssyncadd.s32 $0xFFFFFFB0  }
0x5c: {  	s12 =	simm.s32 @!p0 $0x4080;
	s13 =	simm.s32 @!p0 $0x2;
	[bflag:$0x0] =	sbarrier.arrive $0xFFFF  }
0x5d: {  	[tilespmem:s12], [sflag:$0x2] =	stream.linear.gather @!p0 [spmem:s1], $0x2710, $0x38;
	[tilespmem:$0x6B00] =	vst v63  }
0x5e: {  	s11 =	sadd.s32 $0x1, s11;
	_ =	swait.ge @!p0 [sflag:s13], $0x2710  }
0x5f: {  	p1 =	sne.s32 s11, s6;
	[sflag:s13] =	ssyncset.done @!p0 $0x0  }
.Ltmp1:
0x60: {  	s14 =	simm.s32 @!p0 $0x0;
	[sflag:s13] =	ssyncadd.s32 @!p0 $0xFFFFD8F0;
	(pc) =	sbr.rel @p1 .LBB2_1-.Ltmp1, $4  }
0x61: {  	[hbm4b:s5+s14] =	stream.linear.scatter @!p0 [tilespmem:s12], [sflag:$0x2], $0x2710, $0x38;
	[tilespmem:$0x6B00] =	vst v63  }
0x62: {  	_ =	swait.ge @!p0 [sflag:s13], $0x2710  }
0x63: {  	[sflag:s13] =	ssyncset.done @!p0 $0x0  }
0x64: {  	[sflag:s13] =	ssyncadd.s32 @!p0 $0xFFFFD8F0  }
0x65: {  	_ =	sfence.sel $0x180000  }
0x66: {  	[bflag:$0x0] =	sbarrier.arrive $0xFFFF  }
0x67: {  	_ =	strace $0x90000047  }
0x68: {  	s0 =	sadd.s32 @!p0 $0x100000, s0;
	[bflag:$0x2] =	sbarrier.arrive $0xFFFF  }
0x69: {  	[sflag:s0] =	ssyncadd.tile.s32 @!p0 $0x1;
	_ =	shalt  }
.Lfunc_end2:
_tile_overlayer_lowered:
.L_overlay_start_2:
0x6a: {  	(tag) =	ssettag $0x2  }
0x6b: {  	s0 =	rddreg [dreg:$0x0];
	s2 =	stileid.u32  }
0x6c: {  	s1 =	rddreg [dreg:$0x1];
	p0 =	sne.s32 s2, $0x0  }
0x6d: {  	s3 =	rddreg [dreg:$0x2];
	[bflag:$0x3] =	sbarrier.arrive $0xFFFF;
	s2 =	simm.s32 @!p0 $0x1C02  }
0x6e: {  	[timem:s3], [sflag:s2] =	dma.local @!p0 [hbm:s0], s1  }
0x6f: {  	s0 =	simm.s32 @!p0 $0x2  }
0x70: {  	_ =	swait.ge @!p0 [sflag:s0], s1  }
0x71: {  	s1 =	ssub.s32 @!p0 $0x0, s1;
	[sflag:s0] =	ssyncset.done @!p0 $0x0  }
0x72: {  	[sflag:s0] =	ssyncadd.s32 @!p0 s1  }
0x73: {  	[bflag:$0x3] =	sbarrier.arrive $0xFFFF  }
0x74: {  	_ =	shalt  }

// kernel: kernel.9.cloned.1.call-start
scs
__scs_entry_jumppad:
0x0: {  	(pc) =	sbr.rel $0x88, $3  }
0x1: {  	(tag) =	ssettag $0x0;
	lr =	simm.s32 $0x1  }
0x2: {  	[smem:$0x3F9B] =	sst lr;
	_ =	strace $0xD0000000  }
0x3: {  	_ = 	snop  }
0x4: {  	_ = 	snop  }
0x5: {  	_ = 	snop  }
0x6: {  	_ = 	snop  }
0x7: {  	_ = 	snop  }
__scs_overlays_trampoline_lowered:
0x8: {  	[smem:$0x3FAA] =	sst s0  }
0x9: {  	[smem:$0x3FAB] =	sst s1  }
0xa: {  	[smem:$0x3FAC] =	sst s2  }
0xb: {  	[smem:$0x3FAD] =	sst s3  }
0xc: {  	[smem:$0x3FAE] =	sst s4  }
0xd: {  	[smem:$0x3FAF] =	sst s5  }
0xe: {  	[smem:$0x3FB0] =	sst s6  }
0xf: {  	[smem:$0x3FB1] =	sst s7  }
0x10: {  	[smem:$0x3FB2] =	sst s8  }
0x11: {  	[smem:$0x3FB3] =	sst s9;
	s0 =	simm.s32 @!p0 $0x0  }
0x12: {  	s1 =	sld [smem:$0x3F99];
	s0 =	simm.s32 @p0 $0x1  }
0x13: {  	[smem:$0x3FB4] =	sst s0;
	s0 =	simm.s32 @!p1 $0x0  }
0x14: {  	s2 =	sld [smem:$0x3F98];
	s0 =	simm.s32 @p1 $0x1  }
0x15: {  	[smem:$0x3FB5] =	sst s0;
	s0 =	simm.s32 @!p2 $0x0  }
0x16: {  	s3 =	sld [smem:$0x3FDB];
	s0 =	simm.s32 @p2 $0x1  }
0x17: {  	s4 =	simm.s32 $0x1BF5;
	[smem:$0x3FB7] =	sst s0  }
0x18: {  	s0 =	sld [smem:$0x3F9A];
	_ =	swait.ge [sflag:s4], $0x0  }
0x19: {  	s7 =	sld [smem:$0x3F9B]  }
0x1a: {  	s8 =	sadd.s32 $0xFFFFE003, lr  }
0x1b: {  	s9 =	sadd.s32 $0xFFFFFEF7, lr;
	s5 =	simm.s32 $0xFFFFFFFF;
	p2 =	slt.u32 s8, $0xFFFFF086  }
0x1c: {  	p1 =	slt.u32 s9, $0xF7A;
	s5 =	simm.s32 @!p2 $0x0  }
0x1d: {  	s5 =	simm.s32 @p1 $0x1;
	p0 =	seq.s32 s7, s2  }
0x1e: {  	s7 =	smul.u32 @!p0 $0xF7A, s2;
	p2 =	seq.s32 @!p0 s5, $0x0  }
0x1f: {  	s9 =	smul.u32 $0xF7A, s1;
	s8 =	simm.s32 @!p0 $0x1BF5;
	p2 =	por !p2, p0  }
0x20: {  	[sflag:s8] =	ssyncset.s32 @!p0 $0xFFFFF086;
	s6 =	sadd.s32 @!p0 s3, s7;
	s7 =	simm.s32 @!p0 $0x108  }
0x21: {  	s3 =	sadd.s32 s3, s9;
	s6 =	sadd.s32 @!p0 $0x88, s6;
	s7 =	simm.s32 @p2 $0x1082  }
0x22: {  	[simem:s7], [sflag:s8] =	dma.local @!p0 [hbm:s6], $0xF7A  }
0x23: {  	s9 =	sor.u32 $0xD0000000, s2;
	s6 =	simm.s32 $0x108;
	_ =	swait.ge @!p0 [sflag:s8], $0x0  }
0x24: {  	s3 =	sadd.s32 $0x88, s3;
	s6 =	simm.s32 @!p1 $0x1082;
	[sflag:s4] =	ssyncset.s32 $0xFFFFF086  }
0x25: {  	[simem:s6], [sflag:s4] =	dma.local [hbm:s3], $0xF7A  }
0x26: {  	[smem:$0x3F9B] =	sst s1;
	(tag) =	ssettag s2;
	_ =	strace s9  }
0x27: {  	s1 =	sld [smem:$0x3FAB]  }
0x28: {  	s2 =	sld [smem:$0x3FAC]  }
0x29: {  	s4 =	sld [smem:$0x3FAE]  }
0x2a: {  	p0 =	seq.s32 s5, $0x0;
	s5 =	sld [smem:$0x3FAF]  }
0x2b: {  	s6 =	sld [smem:$0x3FB0]  }
0x2c: {  	s7 =	sld [smem:$0x3FB1]  }
0x2d: {  	s3 =	simm.s32 $0x108;
	s8 =	sld [smem:$0x3FB2]  }
0x2e: {  	s3 =	simm.s32 @!p0 $0x1082;
	s9 =	sld [smem:$0x3FB3]  }
0x2f: {  	lr =	sadd.s32 s0, s3;
	s0 =	sld [smem:$0x3FAA]  }
0x30: {  	s3 =	sld [smem:$0x3FAD]  }
0x31: {  	[smem:$0x3FB6] =	sst s10  }
0x32: {  	s10 =	sld [smem:$0x3FB4];
	_ =	sdelay $0x3  }
0x33: {  	p0 =	seq.s32 s10, $0x1;
	s10 =	sld [smem:$0x3FB6];
	_ =	sdelay $0x3  }
0x34: {  	[smem:$0x3FB6] =	sst s10  }
0x35: {  	s10 =	sld [smem:$0x3FB5];
	_ =	sdelay $0x3  }
0x36: {  	p1 =	seq.s32 s10, $0x1;
	s10 =	sld [smem:$0x3FB6];
	_ =	sdelay $0x3  }
0x37: {  	[smem:$0x3FB6] =	sst s10  }
0x38: {  	s10 =	sld [smem:$0x3FB7]  }
0x39: {  	_ = 	snop;
	(pc) =	sbr.ind lr, $3  }
0x3a: {  	_ = 	snop  }
0x3b: {  	_ = 	snop  }
0x3c: {  	p2 =	seq.s32 s10, $0x1;
	s10 =	sld [smem:$0x3FB6]  }
0x3d: {  	_ =	shalt  }
0x3e: {  	_ =	shalt  }
0x3f: {  	_ =	shalt  }
0x40: {  	_ =	shalt  }
0x41: {  	_ =	shalt  }
0x42: {  	_ =	shalt  }
0x43: {  	_ =	shalt  }
0x44: {  	_ =	shalt  }
0x45: {  	_ =	shalt  }
0x46: {  	_ =	shalt  }
0x47: {  	_ =	shalt  }
0x48: {  	_ =	shalt  }
0x49: {  	_ =	shalt  }
0x4a: {  	_ =	shalt  }
0x4b: {  	_ =	shalt  }
0x4c: {  	_ =	shalt  }
0x4d: {  	_ =	shalt  }
0x4e: {  	_ =	shalt  }
0x4f: {  	_ =	shalt  }
0x50: {  	_ =	shalt  }
0x51: {  	_ =	shalt  }
0x52: {  	_ =	shalt  }
0x53: {  	_ =	shalt  }
0x54: {  	_ =	shalt  }
0x55: {  	_ =	shalt  }
0x56: {  	_ =	shalt  }
0x57: {  	_ =	shalt  }
0x58: {  	_ =	shalt  }
0x59: {  	_ =	shalt  }
0x5a: {  	_ =	shalt  }
0x5b: {  	_ =	shalt  }
0x5c: {  	_ =	shalt  }
0x5d: {  	_ =	shalt  }
0x5e: {  	_ =	shalt  }
0x5f: {  	_ =	shalt  }
0x60: {  	_ =	shalt  }
0x61: {  	_ =	shalt  }
0x62: {  	_ =	shalt  }
0x63: {  	_ =	shalt  }
0x64: {  	_ =	shalt  }
0x65: {  	_ =	shalt  }
0x66: {  	_ =	shalt  }
0x67: {  	_ =	shalt  }
0x68: {  	_ =	shalt  }
0x69: {  	_ =	shalt  }
0x6a: {  	_ =	shalt  }
0x6b: {  	_ =	shalt  }
0x6c: {  	_ =	shalt  }
0x6d: {  	_ =	shalt  }
0x6e: {  	_ =	shalt  }
0x6f: {  	_ =	shalt  }
0x70: {  	_ =	shalt  }
0x71: {  	_ =	shalt  }
0x72: {  	_ =	shalt  }
0x73: {  	_ =	shalt  }
0x74: {  	_ =	shalt  }
0x75: {  	_ =	shalt  }
0x76: {  	_ =	shalt  }
0x77: {  	_ =	shalt  }
0x78: {  	_ =	shalt  }
0x79: {  	_ =	shalt  }
0x7a: {  	_ =	shalt  }
0x7b: {  	_ =	shalt  }
0x7c: {  	_ =	shalt  }
0x7d: {  	_ =	shalt  }
0x7e: {  	_ =	shalt  }
0x7f: {  	_ =	shalt  }
0x80: {  	_ =	shalt  }
0x81: {  	_ =	shalt  }
0x82: {  	_ =	shalt  }
0x83: {  	_ =	shalt  }
0x84: {  	_ =	shalt  }
0x85: {  	_ =	shalt  }
0x86: {  	_ =	shalt  }
0x87: {  	_ =	shalt  }
.Lfunc_end0:
.L_simem_size_0:
called_computation.1_lowered:
.L_overlay_start_0:
0x88: {  	s2 =	sld [smem:$0x3FD9]  }
0x89: {  	s3 =	sld [smem:$0x3FFE];
	_ =	sdelay $0x1  }
0x8a: {  	s1 =	srdreg.scid  }
0x8b: {  	s0 =	sand.u32 $0x1, s1  }
0x8c: {  	s17 =	sshll.u32 s0, $0xA;
	s2 =	sadd.s32 s3, s2  }
0x8d: {  	s2 =	sadd.s32 s2, s17  }
0x8e: {  	[smem:$0x3FC2] =	sst s2  }
0x8f: {  	_ = 	snop  }
0x90: {  	s2 =	sld [smem:$0x3FD0];
	(tm) =	ssettm $0x1  }
0x91: {  	s18 =	sld [smem:$0x3FFB];
	_ =	sdelay $0x3  }
0x92: {  	_ =	strace s18  }
0x93: {  	s3 =	sld [smem:$0x3FFC];
	_ =	sdelay $0x3  }
0x94: {  	_ =	strace s3  }
0x95: {  	s3 =	sld [smem:$0x3FFD];
	_ =	sdelay $0x3  }
0x96: {  	_ =	strace s3  }
0x97: {  	_ =	strace $0x8FFFFFFF  }
0x98: {  	s19 =	sld [smem:$0x3FDB];
	_ =	sdelay $0x1  }
0x99: {  	s4 =	simm.s32 $_scs_section_size  }
0x9a: {  	s5 =	simm.s32 $_size__tile_overlayer_lowered;
	s6 =	simm.s32 $_tile_overlayer_lowered  }
0x9b: {  	s22 =	simm.s32 $0x1BFF;
	s21 =	sshll.u32 s6, $0x1;
	s3 =	sadd.s32 s4, s19  }
0x9c: {  	s7 =	simm.s32 $0x0;
	s20 =	sshll.u32 s5, $0x1;
	s5 =	sadd.s32 s21, s3  }
0x9d: {  	[timem:s7], [sflag:s22] =	dma.local [hbm:s5], s20  }
0x9e: {  	_ =	swait.ge [sflag:s22], s20  }
0x9f: {  	s4 =	ssub.s32 $0x0, s20;
	[sflag:s22] =	ssyncset.done $0x0  }
0xa0: {  	[sflag:s22] =	ssyncadd.s32 s4;
	_ =	sdelay $0x1  }
0xa1: {  	s23 =	simm.s32 $0x1B8B  }
0xa2: {  	_ =	swait.ge [sflag:s23], $0x1  }
0xa3: {  	[sflag:s23] =	ssyncset.done $0x0  }
0xa4: {  	s25 =	simm.s32 $0x1B8E;
	s24 =	sld [smem:$0x3FFE];
	[sflag:s23] =	ssyncadd.s32 $0xFFFFFFFF  }
0xa5: {  	s26 =	simm.s32 $execute0_lowered;
	[smem:$0x3FD2] =	sst s25  }
0xa6: {  	s5 =	sshll.u32 s26, $0x1;
	_ =	strace $0x80000049;
	[dreg:$0x1] =	wrdreg $0xFFFFFFFF  }
0xa7: {  	s28 =	simm.s32 $_size_execute0_lowered;
	s3 =	sadd.s32 s3, s5;
	[dreg:$0x0] =	wrdreg $0x0  }
0xa8: {  	s5 =	sshll.u32 s28, $0x1;
	[dreg:$0x2] =	wrdreg s3  }
0xa9: {  	[dreg:$0x3] =	wrdreg s5  }
0xaa: {  	[dreg:$0x4] =	wrdreg $0xC0  }
0xab: {  	_ =	task [dreg:s7], $0x5FFFF  }
0xac: {  	[dreg:$0x1] =	wrdreg $0xFFFFFFFF  }
0xad: {  	[dreg:$0x0] =	wrdreg $0x60  }
0xae: {  	[dreg:$0x2] =	wrdreg s24  }
0xaf: {  	[dreg:$0x3] =	wrdreg s2  }
0xb0: {  	[dreg:$0x4] =	wrdreg $0xBA000  }
0xb1: {  	[dreg:$0x5] =	wrdreg $0x9  }
0xb2: {  	_ =	task.clear_ibuf [dreg:s7], $0x6FFFF;
	_ =	strace $0x90000049  }
0xb3: {  	s29 =	simm.s32 $0x9;
	_ =	strace $0x8000004B  }
0xb4: {  	_ =	swait.ge [sflag:s29], $0x1  }
0xb5: {  	[sflag:s29] =	ssyncadd.s32 $0xFFFFFFFF  }
0xb6: {  	_ =	strace $0x9000004B  }
0xb7: {  	_ =	sfence  }
0xb8: {  	s30 =	sld [smem:$0x0];
	_ =	sdelay $0x2  }
0xb9: {  	s31 =	sshll.u32 s1, $0xD;
	s1 =	sshrl.u32 s1, $0x2  }
0xba: {  	s3 =	sand.u32 $0x4000, s31;
	s1 =	sadd.s32 s1, s30  }
0xbb: {  	s0 =	sor.u32 s3, s0;
	s1 =	sshll.u32 s1, $0x11  }
0xbc: {  	s0 =	sor.u32 s1, s0  }
0xbd: {  	s0 =	sadd.s32 $0x8F2B, s0  }
0xbe: {  	[sflag:s0] =	ssyncadd.remote.s32 $0x1  }
0xbf: {  	_ =	sfence.sel $0xFFFF  }
0xc0: {  	[dreg:$0x0] =	wrdreg $0xFFFFFFFF;
	(pc) =	sbr.abs _section_cstart, $3  }
0xc1: {  	[dreg:$0x1] =	wrdreg $0xFFFFFFFF  }
0xc2: {  	_ =	task.clear_ibuf [dreg:s7], $0x2FFFF;
	_ =	strace $0x9FFFFFFF  }
0xc3: {  	(tm) =	ssettm $0x7FFFFFFF  }
tec
execute0_lowered:
.L_overlay_start_1:
0x0: {  	(tag) =	ssettag $0x1  }
0x1: {  	s0 =	rddreg [dreg:$0x0]  }
0x2: {  	s2 =	rddreg [dreg:$0x1]  }
0x3: {  	s3 =	rddreg [dreg:$0x2]  }
0x4: {  	s1 =	srdreg.scid;
	s16 =	stileid.u32  }
0x5: {  	s4 =	simm.s32 $0x0;
	s14 =	simm.s32 $0xA;
	s18 =	simm.s32 $0x50  }
0x6: {  	s19 =	simm.s32 $0x4200;
	s20 =	simm.s32 $0x4000;
	s28 =	simm.s32 $0x4  }
0x7: {  	s29 =	simm.s32 $0x1;
	s30 =	simm.s32 $0x5;
	s31 =	simm.s32 $0x2  }
0x8: {  	s1 =	sand.u32 $0x1, s1;
	s8 =	sshll.u32 s16, $0xB;
	[smem:$0x7FF] =	sst s4  }
0x9: {  	s10 =	sadd.s32 $0x1E00, s0;
	s12 =	smul.u32 $0x4E000, s16;
	s5 =	sadd.s32 $0x22400, s0  }
0xa: {  	s15 =	sadd.s32 $0x124800, s3;
	s22 =	smul.u32 $0x2700, s16;
	p0 =	seq.s32 s16, $0xF  }
0xb: {  	s6 =	sshll.u32 s1, $0xF;
	_ =	strace $0x8000004A;
	s21 =	smul.u32 $0x27100, s1  }
0xc: {  	s11 =	ssub.s32 $0x2, s1;
	s1 =	smul.u32 $0x138800, s1;
	s15 =	sshrl.u32 @p0 s15, $0x3  }
0xd: {  	s7 =	sor.u32 s8, s6;
	s13 =	sshrl.u32 s11, $0x1;
	s12 =	sshrl.u32 s12, $0x2  }
0xe: {  	s6 =	sadd.s32 s6, s10;
	s9 =	sadd.s32 s7, s0;
	s0 =	sadd.s32 $0x24C00, s0  }
0xf: {  	s11 =	ssub.s32 s11, s13;
	s17 =	sadd.s32 s12, s3;
	s7 =	sadd.s32 s10, s7  }
0x10: {  	s1 =	sshrl.u32 s1, $0x3;
	s25 =	sadd.s32 s8, s6;
	s6 =	simm.s32 $0x9  }
0x11: {  	s8 =	simm.s32 $0x0;
	s9 =	sadd.s32 $0x12400, s9;
	[dreg:$0x5] =	wrdreg s7  }
0x12: {  	s23 =	sadd.s32 $0x10, s7;
	s7 =	sadd.s32 $0x20, s7;
	[dreg:$0x4] =	wrdreg s9  }
0x13: {  	s1 =	sadd.s32 s0, s1;
	s26 =	smax.u32 s11, $0x1;
	[dreg:$0x6] =	wrdreg s23  }
0x14: {  	s17 =	sshrl.u32 @!p0 s17, $0x3;
	[dreg:$0x7] =	wrdreg s7;
	s9 =	sadd.s32 s22, s21  }
0x15: {  	s24 =	sadd.s32 $0x24900, s1;
	[dreg:$0xa] =	wrdreg s26;
	s22 =	simm.s32 $0x6A00  }
.Ltmp0:
0x16: {  	s23 =	simm.s32 $0x4080;
	s26 =	simm.s32 $0x4100;
	(pc) =	sbr.rel .LBB2_1-.Ltmp0, $4  }
0x17: {  	s1 =	simm.s32 $0x8;
	s0 =	sadd.s32 s0, s9;
	[dreg:$0x9] =	wrdreg s24  }
0x18: {  	s21 =	simm.s32 $0x6;
	[dreg:$0x8] =	wrdreg s0;
	s0 =	sadd.s32 $0x50, s25  }
0x19: {  	s24 =	simm.s32 $0x3;
	[dreg:$0xb] =	wrdreg s0;
	s0 =	sshll.u32 @!p0 s16, $0x6  }
0x1a: {  	s25 =	simm.s32 $0x9200;
	s16 =	sor.u32 @!p0 $0x1C0A, s0;
	s0 =	simm.s32 $0x7  }
.LBB2_3:
0x1b: {  	_ =	swait.ge [sflag:s0], $0x2800  }
0x1c: {  	[sflag:s0] =	ssyncset.done $0x0  }
0x1d: {  	[sflag:s0] =	ssyncadd.s32 $0xFFFFD800  }
0x1e: {  	_ =	swait.ge [sflag:s1], $0x2800  }
0x1f: {  	[sflag:s1] =	ssyncset.done $0x0  }
0x20: {  	[sflag:s1] =	ssyncadd.s32 $0xFFFFD800  }
.LBB2_5:
0x21: {  	[bflag:$0x0] =	sbarrier.arrive $0xFFFF  }
0x22: {  	s7 =	simm.s32 @p0 $0x1FCA;
	s9 =	rddreg [dreg:$0x9]  }
0x23: {  	[hbm:s9], [sflag:s7] =	dma.local @p0 [spmem:s15], $0x2800  }
0x24: {  	s7 =	simm.s32 @p0 $0xA  }
0x25: {  	_ =	swait.ge @p0 [sflag:s7], $0x2800  }
0x26: {  	[sflag:s7] =	ssyncset.done @p0 $0x0  }
0x27: {  	[sflag:s7] =	ssyncadd.s32 @p0 $0xFFFFD800;
	s7 =	rddreg [dreg:$0x8]  }
0x28: {  	[hbm:s7], [sflag:s16] =	dma.local @!p0 [spmem:s17], $0x2700  }
0x29: {  	s7 =	simm.s32 @!p0 $0xA  }
0x2a: {  	_ =	swait.ge @!p0 [sflag:s7], $0x2700  }
0x2b: {  	s8 =	sadd.s32 $0x1, s8;
	s13 =	rddreg [dreg:$0xa]  }
0x2c: {  	p1 =	sne.s32 s8, s13  }
.Ltmp1:
0x2d: {  	_ = 	snop;
	(pc) =	sbr.rel @!p1 .LBB2_6-.Ltmp1, $3  }
0x2e: {  	_ =	sdelay $0x1  }
0x2f: {  	[sflag:s7] =	ssyncset.done @!p0 $0x0  }
0x30: {  	[sflag:s7] =	ssyncadd.s32 @!p0 $0xFFFFD900  }
.LBB2_1:
0x31: {  	s7 =	rddreg [dreg:$0x4]  }
0x32: {  	[tilespmem:s4], [sflag:$0xA] =	stream.linear.gather [hbm4b:s7+s4], $0x4000, $0x38;
	[tilespmem:$0x1FA00] =	vst v63  }
0x33: {  	_ =	swait.ge [sflag:s14], $0x4000  }
0x34: {  	[sflag:s14] =	ssyncset.done $0x0  }
0x35: {  	s10 =	simm.s32 @p0 $0x1FCA;
	[sflag:s14] =	ssyncadd.s32 $0xFFFFC000  }
0x36: {  	[spmem:s15], [sflag:s10] =	dma.local @p0 [hbm:s5], $0x2800  }
0x37: {  	s10 =	simm.s32 @p0 $0xA  }
0x38: {  	_ =	swait.ge @p0 [sflag:s10], $0x2800  }
0x39: {  	[sflag:s10] =	ssyncset.done @p0 $0x0  }
0x3a: {  	[sflag:s10] =	ssyncadd.s32 @p0 $0xFFFFD800;
	s10 =	simm.s32 @!p0 $0xA  }
0x3b: {  	[spmem:s17], [sflag:s16] =	dma.local @!p0 [hbm:s5], $0x2700  }
0x3c: {  	_ =	swait.ge @!p0 [sflag:s10], $0x2700  }
0x3d: {  	[sflag:s10] =	ssyncset.done @!p0 $0x0  }
0x3e: {  	[sflag:s10] =	ssyncadd.s32 @!p0 $0xFFFFD900  }
0x3f: {  	[bflag:$0x0] =	sbarrier.arrive $0xFFFF  }
0x40: {  	[tilespmem:s19], [sflag:$0x1] =	stream.indirect.gather [hbm4b:s2+s18], $0x80, s4, s18, $0xb8;
	[tilespmem:$0x1FA00] =	vst v63  }
0x41: {  	s9 =	rddreg [dreg:$0x5]  }
0x42: {  	[tilespmem:s20], [sflag:$0x4] =	stream.linear.gather [hbm4b:s9+s4], $0x80, $0x38;
	[tilespmem:$0x1FA00] =	vst v63  }
0x43: {  	s10 =	simm.s32 $0x80  }
0x44: {  	[tilespmem:s22], [sflag:$0x2] =	stream.indirect.gather [hbm4b:s2+s18], $0x80, s10, s18, $0xb8;
	[tilespmem:$0x1FA00] =	vst v63  }
0x45: {  	s11 =	rddreg [dreg:$0x6]  }
0x46: {  	[tilespmem:s23], [sflag:$0x5] =	stream.linear.gather [hbm4b:s11+s4], $0x80, $0x38;
	[tilespmem:$0x1FA00] =	vst v63  }
0x47: {  	s12 =	simm.s32 $0x100  }
0x48: {  	[tilespmem:s25], [sflag:$0x3] =	stream.indirect.gather [hbm4b:s2+s18], $0x80, s12, s18, $0xb8;
	[tilespmem:$0x1FA00] =	vst v63  }
0x49: {  	s13 =	rddreg [dreg:$0x7]  }
0x4a: {  	[tilespmem:s26], [sflag:$0x6] =	stream.linear.gather [hbm4b:s13+s4], $0x80, $0x38;
	[tilespmem:$0x1FA00] =	vst v63  }
0x4b: {  	s10 =	simm.s32 $0x0;
	s11 =	simm.s32 $0x0;
	s13 =	rddreg [dreg:$0xb]  }
.LBB2_2:
0x4c: {  	_ =	swait.ge [sflag:s28], $0x80  }
0x4d: {  	[sflag:s28] =	ssyncset.done $0x0  }
0x4e: {  	[sflag:s28] =	ssyncadd.s32 $0xFFFFFF80  }
0x4f: {  	_ =	swait.ge [sflag:s29], $0x2800  }
0x50: {  	[sflag:s29] =	ssyncset.done $0x0  }
0x51: {  	[sflag:s29] =	ssyncadd.s32 $0xFFFFD800  }
0x52: {  	[spmem:s3] =	stream.indirect.scatter.add.f32 [tilespmem:s19], [sflag:$0x7], $0x80, s20, s18, $0xb8;
	[tilespmem:$0x1FA00] =	vst v63  }
0x53: {  	_ =	swait.ge [sflag:s30], $0x80  }
0x54: {  	p1 =	sne.s32 s10, $0xFC00;
	[sflag:s30] =	ssyncset.done $0x0  }
.Ltmp2:
0x55: {  	[sflag:s30] =	ssyncadd.s32 $0xFFFFFF80;
	(pc) =	sbr.rel @!p1 .LBB2_3-.Ltmp2, $4  }
0x56: {  	_ =	swait.ge [sflag:s31], $0x2800  }
0x57: {  	[sflag:s31] =	ssyncset.done $0x0  }
0x58: {  	[sflag:s31] =	ssyncadd.s32 $0xFFFFD800  }
0x59: {  	[spmem:s3] =	stream.indirect.scatter.add.f32 [tilespmem:s22], [sflag:$0x8], $0x80, s23, s18, $0xb8;
	[tilespmem:$0x1FA00] =	vst v63  }
0x5a: {  	_ =	swait.ge [sflag:s21], $0x80  }
0x5b: {  	[sflag:s21] =	ssyncset.done $0x0  }
0x5c: {  	[sflag:s21] =	ssyncadd.s32 $0xFFFFFF80  }
0x5d: {  	_ =	swait.ge [sflag:s24], $0x2800  }
0x5e: {  	[sflag:s24] =	ssyncset.done $0x0  }
0x5f: {  	[sflag:s24] =	ssyncadd.s32 $0xFFFFD800  }
0x60: {  	[spmem:s3] =	stream.indirect.scatter.add.f32 [tilespmem:s25], [sflag:$0x9], $0x80, s26, s18, $0xb8;
	[tilespmem:$0x1FA00] =	vst v63  }
0x61: {  	_ =	swait.ge [sflag:s0], $0x2800  }
0x62: {  	s7 =	sshra.s32 s10, $0x2;
	[sflag:s0] =	ssyncset.done $0x0  }
0x63: {  	s12 =	sadd.s32 $0x180, s7;
	[sflag:s0] =	ssyncadd.s32 $0xFFFFD800  }
0x64: {  	[tilespmem:s19], [sflag:$0x1] =	stream.indirect.gather [hbm4b:s2+s18], $0x80, s12, s18, $0xb8;
	[tilespmem:$0x1FA00] =	vst v63  }
0x65: {  	s9 =	sadd.s32 $0xFFFFFFE0, s13  }
0x66: {  	[tilespmem:s20], [sflag:$0x4] =	stream.linear.gather [hbm4b:s9+s4], $0x80, $0x38;
	[tilespmem:$0x1FA00] =	vst v63  }
0x67: {  	_ =	swait.ge [sflag:s1], $0x2800  }
0x68: {  	[sflag:s1] =	ssyncset.done $0x0  }
0x69: {  	s7 =	sadd.s32 $0x200, s7;
	[sflag:s1] =	ssyncadd.s32 $0xFFFFD800  }
0x6a: {  	[tilespmem:s22], [sflag:$0x2] =	stream.indirect.gather [hbm4b:s2+s18], $0x80, s7, s18, $0xb8;
	[tilespmem:$0x1FA00] =	vst v63  }
0x6b: {  	s12 =	sadd.s32 $0xFFFFFFF0, s13  }
0x6c: {  	[tilespmem:s23], [sflag:$0x5] =	stream.linear.gather [hbm4b:s12+s4], $0x80, $0x38;
	[tilespmem:$0x1FA00] =	vst v63  }
0x6d: {  	p1 =	sgt.u32 s11, $0x28;
	_ =	swait.ge [sflag:s6], $0x2800  }
0x6e: {  	s9 =	simm.s32 @!p1 $0x9200;
	s7 =	sshra.s32 @!p1 s10, $0x2;
	[sflag:s6] =	ssyncset.done $0x0  }
0x6f: {  	s7 =	sadd.s32 @!p1 $0x280, s7;
	s12 =	simm.s32 @!p1 $0x50;
	[sflag:s6] =	ssyncadd.s32 $0xFFFFD800  }
0x70: {  	[tilespmem:s9], [sflag:$0x3] =	stream.indirect.gather @!p1 [hbm4b:s2+s12], $0x80, s7, s12, $0xb8;
	[tilespmem:$0x1FA00] =	vst v63  }
0x71: {  	s10 =	sadd.s32 $0x600, s10;
	s7 =	simm.s32 @!p1 $0x0;
	s9 =	simm.s32 @!p1 $0x4100  }
0x72: {  	[tilespmem:s9], [sflag:$0x6] =	stream.linear.gather @!p1 [hbm4b:s13+s7], $0x80, $0x38;
	[tilespmem:$0x1FA00] =	vst v63  }
0x73: {  	p1 =	sne.s32 s10, $0x10200  }
.Ltmp3:
0x74: {  	_ = 	snop;
	(pc) =	sbr.rel @p1 .LBB2_2-.Ltmp3, $4  }
.Ltmp4:
0x75: {  	_ = 	snop;
	(pc) =	sbr.rel @!p1 .LBB2_5-.Ltmp4, $4  }
0x76: {  	_ = 	snop  }
0x77: {  	_ = 	snop  }
0x78: {  	s11 =	sadd.s32 $0x1, s11;
	s13 =	sadd.s32 $0x30, s13  }
0x79: {  	_ = 	snop  }
.LBB2_6:
0x7a: {  	_ =	sfence.sel $0x180000  }
0x7b: {  	[bflag:$0x0] =	sbarrier.arrive $0xFFFF  }
0x7c: {  	_ =	strace $0x9000004A  }
0x7d: {  	s0 =	stileid.u32;
	[bflag:$0x2] =	sbarrier.arrive $0xFFFF  }
0x7e: {  	p0 =	sne.s32 s0, $0x0;
	s0 =	rddreg [dreg:$0x3]  }
0x7f: {  	s0 =	sadd.s32 @!p0 $0x100000, s0  }
0x80: {  	[sflag:s0] =	ssyncadd.tile.s32 @!p0 $0x1;
	_ =	shalt  }
.Lfunc_end2:
_tile_overlayer_lowered:
.L_overlay_start_2:
0x81: {  	(tag) =	ssettag $0x2  }
0x82: {  	s0 =	rddreg [dreg:$0x0];
	s2 =	stileid.u32  }
0x83: {  	s1 =	rddreg [dreg:$0x1];
	p0 =	sne.s32 s2, $0x0  }
0x84: {  	s3 =	rddreg [dreg:$0x2];
	[bflag:$0x3] =	sbarrier.arrive $0xFFFF;
	s2 =	simm.s32 @!p0 $0x1C0A  }
0x85: {  	[timem:s3], [sflag:s2] =	dma.local @!p0 [hbm:s0], s1  }
0x86: {  	s0 =	simm.s32 @!p0 $0xA  }
0x87: {  	_ =	swait.ge @!p0 [sflag:s0], s1  }
0x88: {  	s1 =	ssub.s32 @!p0 $0x0, s1;
	[sflag:s0] =	ssyncset.done @!p0 $0x0  }
0x89: {  	[sflag:s0] =	ssyncadd.s32 @!p0 s1  }
0x8a: {  	[bflag:$0x3] =	sbarrier.arrive $0xFFFF  }
0x8b: {  	_ =	shalt  }

</sc_bundles>
